<compile_context>
chip_gen: v7x
topology: tpu7x:2x2x1
jax: 0.10.2.dev20260603
libtpu: 0.0.44.dev20260713+nightly
codegen_flags: <defaults>
</compile_context>

<pallas_src>
import functools

import jax
import jax.numpy as jnp
from jax import lax
from jax.experimental import pallas as pl
from jax.experimental.pallas import tpu as pltpu
from jax.experimental.pallas import tpu_sc as plsc

_NR = 4
_B = 2048
_D = 128
_NCTX = 4096
_T = _NR * _B
_AVG_N = 50000.0

_TOK_BLK = 2048
_N_TOK_BLKS = _T // _TOK_BLK


def _k1_body(x_ref, ctx_ref, cm_ref, argm_ref, mseg_ref, cn_ref):
    pid = pl.program_id(0)

    @pl.when(pid == 0)
    def _prep():
        ctx = ctx_ref[...]
        nrm = jnp.sqrt(jnp.sum(ctx * ctx, axis=1, keepdims=True))
        cn_ref[...] = ctx / (nrm + 1e-8)
        seg = lax.dot_general(ctx, cm_ref[...], (((1,), (1,)), ((), ())),
                              preferred_element_type=jnp.float32)
        mseg_ref[...] = jnp.reshape(jnp.max(seg, axis=1), (_NCTX // _D, _D))

    half = _TOK_BLK // 8
    for h in range(8):
        xs = x_ref[0, h * half:(h + 1) * half, :]
        sim = lax.dot_general(xs, cn_ref[...], (((1,), (1,)), ((), ())),
                              preferred_element_type=jnp.float32)
        am = jnp.argmax(sim, axis=1).astype(jnp.int32)
        argm_ref[h * (half // _D):(h + 1) * (half // _D), :] = (
            jnp.reshape(am, (half // _D, _D)))


def _k3_body(x_ref, w_ref, b_ref, a0_ref, a1_ref, a2_ref, a3_ref, o_ref):
    w = w_ref[...]
    blk = o_ref.shape[0]
    acc = None
    for n, a_ref in enumerate((a0_ref, a1_ref, a2_ref, a3_ref)):
        h = jnp.dot(x_ref[n], w, preferred_element_type=jnp.float32) + b_ref[...]
        g = jax.nn.gelu(h)
        parts = []
        for r in range(blk // _D):
            a_col = jnp.transpose(a_ref[r:r + 1, :])
            parts.append(g[r * _D:(r + 1) * _D, :] * a_col)
        g = jnp.concatenate(parts, axis=0)
        acc = g if acc is None else acc + g
    o_ref[...] = acc * (1.0 / _NR)


def _make_k2(nc, ns):
    nw = nc * ns
    rows_w = _NCTX // nw
    tok_w = _T // nw
    chunk = 128
    assert tok_w == 2 * chunk
    mesh = plsc.VectorSubcoreMesh(core_axis_name="c", subcore_axis_name="s")

    @functools.partial(
        pl.kernel,
        out_type=(
            jax.ShapeDtypeStruct((_NCTX, _D), jnp.float32),
            jax.ShapeDtypeStruct((_T,), jnp.float32),
        ),
        mesh=mesh,
        compiler_params=pltpu.CompilerParams(needs_layout_passes=False),
        scratch_types=[
            pltpu.VMEM((chunk, _D), jnp.float32),
            pltpu.VMEM((chunk, _D), jnp.float32),
            pltpu.VMEM((chunk, _D), jnp.float32),
            pltpu.VMEM((chunk, _D), jnp.float32),
            pltpu.VMEM((chunk,), jnp.int32),
            pltpu.VMEM((chunk,), jnp.int32),
            pltpu.VMEM((_NCTX,), jnp.float32),
            pltpu.VMEM((chunk,), jnp.float32),
            pltpu.VMEM((_NCTX // nw, _D), jnp.float32),
            pltpu.SemaphoreType.DMA,
            pltpu.SemaphoreType.DMA,
            pltpu.SemaphoreType.DMA,
            pltpu.SemaphoreType.DMA,
            pltpu.SemaphoreType.DMA,
        ],
    )
    def k2(ctx_hbm, x_hbm, argm_hbm, mseg_hbm, newctx_hbm, act_hbm,
           buf0, buf1, x0, x1, idx0, idx1, mseg_v, act_v, cp_v,
           sg0, sg1, sx0, sx1, ss):
        wid = lax.axis_index("s") * nc + lax.axis_index("c")
        base0 = wid * tok_w
        base1 = base0 + chunk
        pltpu.sync_copy(argm_hbm.at[pl.ds(base0, chunk)], idx0)
        pltpu.sync_copy(argm_hbm.at[pl.ds(base1, chunk)], idx1)
        g0 = pltpu.async_copy(ctx_hbm.at[idx0], buf0, sg0)
        g1 = pltpu.async_copy(ctx_hbm.at[idx1], buf1, sg1)
        c0 = pltpu.async_copy(x_hbm.at[pl.ds(base0, chunk)], x0, sx0)
        c1 = pltpu.async_copy(x_hbm.at[pl.ds(base1, chunk)], x1, sx1)
        r0 = wid * rows_w
        pltpu.sync_copy(ctx_hbm.at[pl.ds(r0, rows_w)], cp_v)
        pltpu.sync_copy(cp_v, newctx_hbm.at[pl.ds(r0, rows_w)])
        pltpu.sync_copy(mseg_hbm, mseg_v)
        plsc.subcore_barrier()

        def do_act(idx, base):
            for j in range(chunk // 16):
                idx16 = idx[pl.ds(j * 16, 16)]
                m = plsc.load_gather(mseg_v, [idx16])
                act_v[pl.ds(j * 16, 16)] = 1.0 / (1.0 + jnp.exp(-m))
            pltpu.sync_copy(act_v, act_hbm.at[pl.ds(base, chunk)])

        do_act(idx0, base0)
        do_act(idx1, base1)

        def do_chunk(gd, cd, buf, xv, idx, sdone):
            gd.wait()
            cd.wait()

            @functools.partial(plsc.parallel_loop, 0, chunk, unroll=8)
            def _row(i):
                for j in range(_D // 16):
                    sl = (i, pl.ds(j * 16, 16))
                    buf[sl] = (buf[sl] * (_AVG_N - 1.0) + xv[sl]) * (1.0 / _AVG_N)

            return pltpu.async_copy(buf, newctx_hbm.at[idx], sdone)

        s0 = do_chunk(g0, c0, buf0, x0, idx0, ss)
        s1 = do_chunk(g1, c1, buf1, x1, idx1, ss)
        s0.wait()
        s1.wait()

    return k2


def kernel(x, W, b, ctx_mod, context):
    xf = jnp.reshape(x, (_T, _D))

    argm2, mseg2 = pl.pallas_call(
        _k1_body,
        grid=(_N_TOK_BLKS,),
        in_specs=[
            pl.BlockSpec((1, _TOK_BLK, _D), lambda i: (i, 0, 0)),
            pl.BlockSpec((_NCTX, _D), lambda i: (0, 0)),
            pl.BlockSpec((_NR, _D), lambda i: (0, 0)),
        ],
        out_specs=[
            pl.BlockSpec((_TOK_BLK // _D, _D), lambda i: (i, 0)),
            pl.BlockSpec((_NCTX // _D, _D), lambda i: (0, 0)),
        ],
        out_shape=[
            jax.ShapeDtypeStruct((_T // _D, _D), jnp.int32),
            jax.ShapeDtypeStruct((_NCTX // _D, _D), jnp.float32),
        ],
        scratch_shapes=[pltpu.VMEM((_NCTX, _D), jnp.float32)],
    )(jnp.reshape(xf, (_N_TOK_BLKS, _TOK_BLK, _D)), context, ctx_mod)

    argm = jnp.reshape(argm2, (_T,))
    mseg = jnp.reshape(mseg2, (_NCTX,))

    info = plsc.get_sparse_core_info()
    k2 = _make_k2(info.num_cores, info.num_subcores)
    new_context, act = k2(context, xf, argm, mseg)

    blk = 1024
    act64 = jnp.reshape(act, (_T // _D, _D))

    def _act_map(n):
        return lambda i: (n * (_B // blk) + i, 0)

    act_specs = [pl.BlockSpec((blk // _D, _D), _act_map(n)) for n in range(_NR)]
    x_out = pl.pallas_call(
        _k3_body,
        grid=(_B // blk,),
        in_specs=[
            pl.BlockSpec((_NR, blk, _D), lambda i: (0, i, 0)),
            pl.BlockSpec((_D, _D), lambda i: (0, 0)),
            pl.BlockSpec((1, _D), lambda i: (0, 0)),
        ] + act_specs,
        out_specs=pl.BlockSpec((blk, _D), lambda i: (i, 0)),
        out_shape=jax.ShapeDtypeStruct((_B, _D), jnp.float32),
    )(x, W, jnp.reshape(b, (1, _D)), act64, act64, act64, act64)

    return (x_out, new_context)

# --- scband reference (transcript-rebuilt; emitter-appended) ---
"""Pipeline reference for scband-cell-model-32031866093752 (READ-ONLY COPY).

The authoritative reference and input builder live on the scoring server;
editing this copy changes nothing except your own understanding.
"""

import jax, jax.numpy as jnp
import numpy as np

N_RECEP = 4
BATCH = 2048
MAIN_DIM = 128
N_CONTEXT = 4096
N_SEGMENTS = 4
AVG_N = 50000.0


def setup_inputs(seed: int = 0) -> dict:
    key = jax.random.key(seed)
    k1, k2, k3, k4, k5 = jax.random.split(key, 5)
    x = jax.random.normal(k1, (N_RECEP, BATCH, MAIN_DIM), dtype=jnp.float32)
    # receptor = Linear(main_dim, main_dim) followed by GELU
    W = jax.random.normal(k2, (MAIN_DIM, MAIN_DIM), dtype=jnp.float32) * 0.05
    b = jnp.zeros((MAIN_DIM,), dtype=jnp.float32)
    # ctx_mod parameter: (n_segments, main_dim), torch.rand init
    ctx_mod = jax.random.uniform(k3, (N_SEGMENTS, MAIN_DIM), dtype=jnp.float32)
    # context buffer: (n_context, main_dim), torch.rand init
    context = jax.random.uniform(k4, (N_CONTEXT, MAIN_DIM), dtype=jnp.float32)
    return {"x": x, "W": W, "b": b, "ctx_mod": ctx_mod, "context": context}


def _dynamic_average(old, new, n):
    return (old * (n - 1.0) + new) / n


def reference(x, W, b, ctx_mod, context):
    N, B, L = x.shape
    xf = jnp.reshape(x, (N * B, L))
    # --- get_update_context (no-grad path on detached x) ---
    xs = jax.lax.stop_gradient(xf)
    xn = xs / (jnp.linalg.norm(xs, axis=1, keepdims=True) + 1e-8)
    cn = context / (jnp.linalg.norm(context, axis=1, keepdims=True) + 1e-8)
    sim = xn @ cn.T                       # (T, n_context) cosine similarity
    argm = jnp.argmax(sim, axis=1)        # (T,)
    cls_ctx = jnp.take(context, argm, axis=0)   # gather from memory table
    new_vals = _dynamic_average(cls_ctx, xs, AVG_N)
    new_context = context.at[argm].set(new_vals)  # scatter-overwrite memory update
    # --- get_segments ---
    segments = jnp.einsum('sl,bl->bs', ctx_mod, cls_ctx)  # (T, n_segments)
    # --- get_activation ---
    max_seg = jnp.max(segments, axis=1)
    activation = jax.nn.sigmoid(max_seg)[:, None]         # (T, 1)
    # --- receptor: Linear + GELU, gated by activation ---
    rec = jax.nn.gelu(xf @ W + b)
    x_out = rec * activation
    # --- reduction: mean over receptor dim ---
    x_out = jnp.reshape(x_out, (N, B, L))
    x_out = jnp.mean(x_out, axis=0)       # (B, L)
    return (x_out, new_context)

if __name__ == "__main__":
    import jax
    _d = setup_inputs()
    print(jax.jit(kernel)(*tuple(_d.values())))

</pallas_src>

<mosaic_0001>
#map = affine_map<(d0, d1) -> (0, 0)>
#map1 = affine_map<(d0, d1) -> (0)>
module attributes {stable_mosaic.version = 14 : i64} {
  func.func @k2(%arg0: i32, %arg1: i32, %arg2: memref<4096x128xf32, #tpu.memory_space<hbm>>, %arg3: memref<8192x128xf32, #tpu.memory_space<hbm>>, %arg4: memref<8192xi32, #tpu.memory_space<hbm>>, %arg5: memref<4096xf32, #tpu.memory_space<hbm>>, %arg6: memref<4096x128xf32, #tpu.memory_space<hbm>>, %arg7: memref<8192xf32, #tpu.memory_space<hbm>>, %arg8: memref<128x128xf32, #tpu.memory_space<vmem>>, %arg9: memref<128x128xf32, #tpu.memory_space<vmem>>, %arg10: memref<128x128xf32, #tpu.memory_space<vmem>>, %arg11: memref<128x128xf32, #tpu.memory_space<vmem>>, %arg12: memref<128xi32, #tpu.memory_space<vmem>>, %arg13: memref<128xi32, #tpu.memory_space<vmem>>, %arg14: memref<4096xf32, #tpu.memory_space<vmem>>, %arg15: memref<128xf32, #tpu.memory_space<vmem>>, %arg16: memref<128x128xf32, #tpu.memory_space<vmem>>, %arg17: memref<!tpu.dma_semaphore, #tpu.memory_space<semaphore_mem>>, %arg18: memref<!tpu.dma_semaphore, #tpu.memory_space<semaphore_mem>>, %arg19: memref<!tpu.dma_semaphore, #tpu.memory_space<semaphore_mem>>, %arg20: memref<!tpu.dma_semaphore, #tpu.memory_space<semaphore_mem>>, %arg21: memref<!tpu.dma_semaphore, #tpu.memory_space<semaphore_mem>>) attributes {dimension_semantics = [#tpu.dimension_semantics<core_parallel>, #tpu.dimension_semantics<subcore_parallel>], iteration_bounds = array<i64: 2, 16>, scalar_prefetch = 0 : i64, scratch_operands = 14 : i64, tpu.core_type = #tpu.core_type<sc_vector_subcore>, window_params = [{transform_indices = #map}, {transform_indices = #map}, {transform_indices = #map1}, {transform_indices = #map1}, {transform_indices = #map}, {transform_indices = #map1}]} {
    %mul3A = arith.constant 2 : i32
    %mul3A_0 = arith.muli %arg1, %mul3A : i32
    %add3A = arith.addi %mul3A_0, %arg0 : i32
    %mul3A_1 = arith.constant 256 : i32
    %mul3A_2 = arith.muli %add3A, %mul3A_1 : i32
    %add3A_3 = arith.constant 128 : i32
    %add3A_4 = arith.addi %mul3A_2, %add3A_3 : i32
    "tpu.region"() ({
      %run_scoped3A = tpu.sem_alloc : memref<!tpu.dma_semaphore, #tpu.memory_space<semaphore_mem>>
      %dma_start3A_279 = tpu.memref_slice %arg4[%mul3A_2] : memref<8192xi32, #tpu.memory_space<hbm>> -> memref<128xi32, #tpu.memory_space<hbm>>
      %dma_start3A_280 = tpu.memref_slice %arg4[%mul3A_2] : memref<8192xi32, #tpu.memory_space<hbm>> -> memref<128xi32, #tpu.memory_space<hbm>>
      tpu.enqueue_dma source(%dma_start3A_280 : memref<128xi32, #tpu.memory_space<hbm>>) target(%arg12 : memref<128xi32, #tpu.memory_space<vmem>>) target_semaphore(%run_scoped3A : memref<!tpu.dma_semaphore, #tpu.memory_space<semaphore_mem>>)
      %dma_wait3A_281 = tpu.memref_slice %arg4[%mul3A_2] : memref<8192xi32, #tpu.memory_space<hbm>> -> memref<128xi32, #tpu.memory_space<hbm>>
      %dma_wait3A_282 = tpu.memref_slice %arg4[%mul3A_2] : memref<8192xi32, #tpu.memory_space<hbm>> -> memref<128xi32, #tpu.memory_space<hbm>>
      tpu.wait_dma2 semaphore(%run_scoped3A : memref<!tpu.dma_semaphore, #tpu.memory_space<semaphore_mem>>) src(%dma_wait3A_282 : memref<128xi32, #tpu.memory_space<hbm>>) dst(%arg12 : memref<128xi32, #tpu.memory_space<vmem>>)
      tpu.yield
    }) : () -> ()
    "tpu.region"() ({
      %run_scoped3A = tpu.sem_alloc : memref<!tpu.dma_semaphore, #tpu.memory_space<semaphore_mem>>
      %dma_start3A_279 = tpu.memref_slice %arg4[%add3A_4] : memref<8192xi32, #tpu.memory_space<hbm>> -> memref<128xi32, #tpu.memory_space<hbm>>
      %dma_start3A_280 = tpu.memref_slice %arg4[%add3A_4] : memref<8192xi32, #tpu.memory_space<hbm>> -> memref<128xi32, #tpu.memory_space<hbm>>
      tpu.enqueue_dma source(%dma_start3A_280 : memref<128xi32, #tpu.memory_space<hbm>>) target(%arg13 : memref<128xi32, #tpu.memory_space<vmem>>) target_semaphore(%run_scoped3A : memref<!tpu.dma_semaphore, #tpu.memory_space<semaphore_mem>>)
      %dma_wait3A_281 = tpu.memref_slice %arg4[%add3A_4] : memref<8192xi32, #tpu.memory_space<hbm>> -> memref<128xi32, #tpu.memory_space<hbm>>
      %dma_wait3A_282 = tpu.memref_slice %arg4[%add3A_4] : memref<8192xi32, #tpu.memory_space<hbm>> -> memref<128xi32, #tpu.memory_space<hbm>>
      tpu.wait_dma2 semaphore(%run_scoped3A : memref<!tpu.dma_semaphore, #tpu.memory_space<semaphore_mem>>) src(%dma_wait3A_282 : memref<128xi32, #tpu.memory_space<hbm>>) dst(%arg13 : memref<128xi32, #tpu.memory_space<vmem>>)
      tpu.yield
    }) : () -> ()
    %dma_start3A = arith.constant 0 : i32
    %dma_start3A_5 = arith.constant 0 : i32
    %dma_start3A_6 = tpu.memref_slice %arg2[%dma_start3A, %dma_start3A_5] : memref<4096x128xf32, #tpu.memory_space<hbm>> -> memref<4096x128xf32, #tpu.memory_space<hbm>>
    tpu.enqueue_indirect_dma source(%dma_start3A_6 : memref<4096x128xf32, #tpu.memory_space<hbm>>) target(%arg8 : memref<128x128xf32, #tpu.memory_space<vmem>>) offsets(%arg12 : memref<128xi32, #tpu.memory_space<vmem>>) semaphore(%arg17 : memref<!tpu.dma_semaphore, #tpu.memory_space<semaphore_mem>>)
    %dma_start3A_7 = arith.constant 0 : i32
    %dma_start3A_8 = arith.constant 0 : i32
    %dma_start3A_9 = tpu.memref_slice %arg2[%dma_start3A_7, %dma_start3A_8] : memref<4096x128xf32, #tpu.memory_space<hbm>> -> memref<4096x128xf32, #tpu.memory_space<hbm>>
    tpu.enqueue_indirect_dma source(%dma_start3A_9 : memref<4096x128xf32, #tpu.memory_space<hbm>>) target(%arg9 : memref<128x128xf32, #tpu.memory_space<vmem>>) offsets(%arg13 : memref<128xi32, #tpu.memory_space<vmem>>) semaphore(%arg18 : memref<!tpu.dma_semaphore, #tpu.memory_space<semaphore_mem>>)
    %dma_start3A_10 = arith.constant 0 : i32
    %dma_start3A_11 = tpu.memref_slice %arg3[%mul3A_2, %dma_start3A_10] : memref<8192x128xf32, #tpu.memory_space<hbm>> -> memref<128x128xf32, #tpu.memory_space<hbm>>
    %dma_start3A_12 = arith.constant 0 : i32
    %dma_start3A_13 = tpu.memref_slice %arg3[%mul3A_2, %dma_start3A_12] : memref<8192x128xf32, #tpu.memory_space<hbm>> -> memref<128x128xf32, #tpu.memory_space<hbm>>
    tpu.enqueue_dma source(%dma_start3A_13 : memref<128x128xf32, #tpu.memory_space<hbm>>) target(%arg10 : memref<128x128xf32, #tpu.memory_space<vmem>>) target_semaphore(%arg19 : memref<!tpu.dma_semaphore, #tpu.memory_space<semaphore_mem>>)
    %dma_start3A_14 = arith.constant 0 : i32
    %dma_start3A_15 = tpu.memref_slice %arg3[%add3A_4, %dma_start3A_14] : memref<8192x128xf32, #tpu.memory_space<hbm>> -> memref<128x128xf32, #tpu.memory_space<hbm>>
    %dma_start3A_16 = arith.constant 0 : i32
    %dma_start3A_17 = tpu.memref_slice %arg3[%add3A_4, %dma_start3A_16] : memref<8192x128xf32, #tpu.memory_space<hbm>> -> memref<128x128xf32, #tpu.memory_space<hbm>>
    tpu.enqueue_dma source(%dma_start3A_17 : memref<128x128xf32, #tpu.memory_space<hbm>>) target(%arg11 : memref<128x128xf32, #tpu.memory_space<vmem>>) target_semaphore(%arg20 : memref<!tpu.dma_semaphore, #tpu.memory_space<semaphore_mem>>)
    %mul3A_18 = arith.constant 128 : i32
    %mul3A_19 = arith.muli %add3A, %mul3A_18 : i32
    "tpu.region"() ({
      %run_scoped3A = tpu.sem_alloc : memref<!tpu.dma_semaphore, #tpu.memory_space<semaphore_mem>>
      %dma_start3A_279 = arith.constant 0 : i32
      %dma_start3A_280 = tpu.memref_slice %arg2[%mul3A_19, %dma_start3A_279] : memref<4096x128xf32, #tpu.memory_space<hbm>> -> memref<128x128xf32, #tpu.memory_space<hbm>>
      %dma_start3A_281 = arith.constant 0 : i32
      %dma_start3A_282 = tpu.memref_slice %arg2[%mul3A_19, %dma_start3A_281] : memref<4096x128xf32, #tpu.memory_space<hbm>> -> memref<128x128xf32, #tpu.memory_space<hbm>>
      tpu.enqueue_dma source(%dma_start3A_282 : memref<128x128xf32, #tpu.memory_space<hbm>>) target(%arg16 : memref<128x128xf32, #tpu.memory_space<vmem>>) target_semaphore(%run_scoped3A : memref<!tpu.dma_semaphore, #tpu.memory_space<semaphore_mem>>)
      %dma_wait3A_283 = arith.constant 0 : i32
      %dma_wait3A_284 = tpu.memref_slice %arg2[%mul3A_19, %dma_wait3A_283] : memref<4096x128xf32, #tpu.memory_space<hbm>> -> memref<128x128xf32, #tpu.memory_space<hbm>>
      %dma_wait3A_285 = arith.constant 0 : i32
      %dma_wait3A_286 = tpu.memref_slice %arg2[%mul3A_19, %dma_wait3A_285] : memref<4096x128xf32, #tpu.memory_space<hbm>> -> memref<128x128xf32, #tpu.memory_space<hbm>>
      tpu.wait_dma2 semaphore(%run_scoped3A : memref<!tpu.dma_semaphore, #tpu.memory_space<semaphore_mem>>) src(%dma_wait3A_286 : memref<128x128xf32, #tpu.memory_space<hbm>>) dst(%arg16 : memref<128x128xf32, #tpu.memory_space<vmem>>)
      tpu.yield
    }) : () -> ()
    "tpu.region"() ({
      %run_scoped3A = tpu.sem_alloc : memref<!tpu.dma_semaphore, #tpu.memory_space<semaphore_mem>>
      %dma_start3A_279 = arith.constant 0 : i32
      %dma_start3A_280 = tpu.memref_slice %arg6[%mul3A_19, %dma_start3A_279] : memref<4096x128xf32, #tpu.memory_space<hbm>> -> memref<128x128xf32, #tpu.memory_space<hbm>>
      %dma_start3A_281 = arith.constant 0 : i32
      %dma_start3A_282 = tpu.memref_slice %arg6[%mul3A_19, %dma_start3A_281] : memref<4096x128xf32, #tpu.memory_space<hbm>> -> memref<128x128xf32, #tpu.memory_space<hbm>>
      tpu.enqueue_dma source(%arg16 : memref<128x128xf32, #tpu.memory_space<vmem>>) target(%dma_start3A_282 : memref<128x128xf32, #tpu.memory_space<hbm>>) target_semaphore(%run_scoped3A : memref<!tpu.dma_semaphore, #tpu.memory_space<semaphore_mem>>)
      %dma_wait3A_283 = arith.constant 0 : i32
      %dma_wait3A_284 = tpu.memref_slice %arg6[%mul3A_19, %dma_wait3A_283] : memref<4096x128xf32, #tpu.memory_space<hbm>> -> memref<128x128xf32, #tpu.memory_space<hbm>>
      %dma_wait3A_285 = arith.constant 0 : i32
      %dma_wait3A_286 = tpu.memref_slice %arg6[%mul3A_19, %dma_wait3A_285] : memref<4096x128xf32, #tpu.memory_space<hbm>> -> memref<128x128xf32, #tpu.memory_space<hbm>>
      tpu.wait_dma2 semaphore(%run_scoped3A : memref<!tpu.dma_semaphore, #tpu.memory_space<semaphore_mem>>) src(%arg16 : memref<128x128xf32, #tpu.memory_space<vmem>>) dst(%dma_wait3A_286 : memref<128x128xf32, #tpu.memory_space<hbm>>)
      tpu.yield
    }) : () -> ()
    "tpu.region"() ({
      %run_scoped3A = tpu.sem_alloc : memref<!tpu.dma_semaphore, #tpu.memory_space<semaphore_mem>>
      tpu.enqueue_dma source(%arg5 : memref<4096xf32, #tpu.memory_space<hbm>>) target(%arg14 : memref<4096xf32, #tpu.memory_space<vmem>>) target_semaphore(%run_scoped3A : memref<!tpu.dma_semaphore, #tpu.memory_space<semaphore_mem>>)
      tpu.wait_dma2 semaphore(%run_scoped3A : memref<!tpu.dma_semaphore, #tpu.memory_space<semaphore_mem>>) src(%arg5 : memref<4096xf32, #tpu.memory_space<hbm>>) dst(%arg14 : memref<4096xf32, #tpu.memory_space<vmem>>)
      tpu.yield
    }) : () -> ()
    %barrier3A = arith.constant 0 : index
    tpu.barrier barrier_id(%barrier3A)
    %get3A = arith.constant 0 : index
    %get3A_20 = tpu.vector_load %arg12[%get3A] {strides = array<i32>} : memref<128xi32, #tpu.memory_space<vmem>>, vector<16xi32>,
    %gather3A = tpu.vector_load_idx %arg14[%get3A_20] : memref<4096xf32, #tpu.memory_space<vmem>>[vector<16xi32>], vector<16xf32>,
    %neg3A = arith.constant 0.000000e+00 : f32
    %neg3A_21 = vector.broadcast %neg3A : f32 to vector<16xf32>
    %neg3A_22 = arith.subf %neg3A_21, %gather3A : vector<16xf32>
    %exp3A = math.exp %neg3A_22 : vector<16xf32>
    %add3A_23 = arith.constant 1.000000e+00 : f32
    %add3A_24 = vector.broadcast %add3A_23 : f32 to vector<16xf32>
    %add3A_25 = arith.addf %add3A_24, %exp3A : vector<16xf32>
    %div3A = arith.constant 1.000000e+00 : f32
    %div3A_26 = vector.broadcast %div3A : f32 to vector<16xf32>
    %div3A_27 = arith.divf %div3A_26, %add3A_25 : vector<16xf32>
    %swap3A = arith.constant 0 : index
    %swap3A_28 = tpu.vector_load %arg15[%swap3A] {strides = array<i32>} : memref<128xf32, #tpu.memory_space<vmem>>, vector<16xf32>,
    tpu.vector_store %arg15[%swap3A], %div3A_27 {strides = array<i32>} : memref<128xf32, #tpu.memory_space<vmem>>, vector<16xf32>,
    %get3A_29 = arith.constant 16 : index
    %get3A_30 = tpu.vector_load %arg12[%get3A_29] {strides = array<i32>} : memref<128xi32, #tpu.memory_space<vmem>>, vector<16xi32>,
    %gather3A_31 = tpu.vector_load_idx %arg14[%get3A_30] : memref<4096xf32, #tpu.memory_space<vmem>>[vector<16xi32>], vector<16xf32>,
    %neg3A_32 = arith.constant 0.000000e+00 : f32
    %neg3A_33 = vector.broadcast %neg3A_32 : f32 to vector<16xf32>
    %neg3A_34 = arith.subf %neg3A_33, %gather3A_31 : vector<16xf32>
    %exp3A_35 = math.exp %neg3A_34 : vector<16xf32>
    %add3A_36 = arith.constant 1.000000e+00 : f32
    %add3A_37 = vector.broadcast %add3A_36 : f32 to vector<16xf32>
    %add3A_38 = arith.addf %add3A_37, %exp3A_35 : vector<16xf32>
    %div3A_39 = arith.constant 1.000000e+00 : f32
    %div3A_40 = vector.broadcast %div3A_39 : f32 to vector<16xf32>
    %div3A_41 = arith.divf %div3A_40, %add3A_38 : vector<16xf32>
    %swap3A_42 = arith.constant 16 : index
    %swap3A_43 = tpu.vector_load %arg15[%swap3A_42] {strides = array<i32>} : memref<128xf32, #tpu.memory_space<vmem>>, vector<16xf32>,
    tpu.vector_store %arg15[%swap3A_42], %div3A_41 {strides = array<i32>} : memref<128xf32, #tpu.memory_space<vmem>>, vector<16xf32>,
    %get3A_44 = arith.constant 32 : index
    %get3A_45 = tpu.vector_load %arg12[%get3A_44] {strides = array<i32>} : memref<128xi32, #tpu.memory_space<vmem>>, vector<16xi32>,
    %gather3A_46 = tpu.vector_load_idx %arg14[%get3A_45] : memref<4096xf32, #tpu.memory_space<vmem>>[vector<16xi32>], vector<16xf32>,
    %neg3A_47 = arith.constant 0.000000e+00 : f32
    %neg3A_48 = vector.broadcast %neg3A_47 : f32 to vector<16xf32>
    %neg3A_49 = arith.subf %neg3A_48, %gather3A_46 : vector<16xf32>
    %exp3A_50 = math.exp %neg3A_49 : vector<16xf32>
    %add3A_51 = arith.constant 1.000000e+00 : f32
    %add3A_52 = vector.broadcast %add3A_51 : f32 to vector<16xf32>
    %add3A_53 = arith.addf %add3A_52, %exp3A_50 : vector<16xf32>
    %div3A_54 = arith.constant 1.000000e+00 : f32
    %div3A_55 = vector.broadcast %div3A_54 : f32 to vector<16xf32>
    %div3A_56 = arith.divf %div3A_55, %add3A_53 : vector<16xf32>
    %swap3A_57 = arith.constant 32 : index
    %swap3A_58 = tpu.vector_load %arg15[%swap3A_57] {strides = array<i32>} : memref<128xf32, #tpu.memory_space<vmem>>, vector<16xf32>,
    tpu.vector_store %arg15[%swap3A_57], %div3A_56 {strides = array<i32>} : memref<128xf32, #tpu.memory_space<vmem>>, vector<16xf32>,
    %get3A_59 = arith.constant 48 : index
    %get3A_60 = tpu.vector_load %arg12[%get3A_59] {strides = array<i32>} : memref<128xi32, #tpu.memory_space<vmem>>, vector<16xi32>,
    %gather3A_61 = tpu.vector_load_idx %arg14[%get3A_60] : memref<4096xf32, #tpu.memory_space<vmem>>[vector<16xi32>], vector<16xf32>,
    %neg3A_62 = arith.constant 0.000000e+00 : f32
    %neg3A_63 = vector.broadcast %neg3A_62 : f32 to vector<16xf32>
    %neg3A_64 = arith.subf %neg3A_63, %gather3A_61 : vector<16xf32>
    %exp3A_65 = math.exp %neg3A_64 : vector<16xf32>
    %add3A_66 = arith.constant 1.000000e+00 : f32
    %add3A_67 = vector.broadcast %add3A_66 : f32 to vector<16xf32>
    %add3A_68 = arith.addf %add3A_67, %exp3A_65 : vector<16xf32>
    %div3A_69 = arith.constant 1.000000e+00 : f32
    %div3A_70 = vector.broadcast %div3A_69 : f32 to vector<16xf32>
    %div3A_71 = arith.divf %div3A_70, %add3A_68 : vector<16xf32>
    %swap3A_72 = arith.constant 48 : index
    %swap3A_73 = tpu.vector_load %arg15[%swap3A_72] {strides = array<i32>} : memref<128xf32, #tpu.memory_space<vmem>>, vector<16xf32>,
    tpu.vector_store %arg15[%swap3A_72], %div3A_71 {strides = array<i32>} : memref<128xf32, #tpu.memory_space<vmem>>, vector<16xf32>,
    %get3A_74 = arith.constant 64 : index
    %get3A_75 = tpu.vector_load %arg12[%get3A_74] {strides = array<i32>} : memref<128xi32, #tpu.memory_space<vmem>>, vector<16xi32>,
    %gather3A_76 = tpu.vector_load_idx %arg14[%get3A_75] : memref<4096xf32, #tpu.memory_space<vmem>>[vector<16xi32>], vector<16xf32>,
    %neg3A_77 = arith.constant 0.000000e+00 : f32
    %neg3A_78 = vector.broadcast %neg3A_77 : f32 to vector<16xf32>
    %neg3A_79 = arith.subf %neg3A_78, %gather3A_76 : vector<16xf32>
    %exp3A_80 = math.exp %neg3A_79 : vector<16xf32>
    %add3A_81 = arith.constant 1.000000e+00 : f32
    %add3A_82 = vector.broadcast %add3A_81 : f32 to vector<16xf32>
    %add3A_83 = arith.addf %add3A_82, %exp3A_80 : vector<16xf32>
    %div3A_84 = arith.constant 1.000000e+00 : f32
    %div3A_85 = vector.broadcast %div3A_84 : f32 to vector<16xf32>
    %div3A_86 = arith.divf %div3A_85, %add3A_83 : vector<16xf32>
    %swap3A_87 = arith.constant 64 : index
    %swap3A_88 = tpu.vector_load %arg15[%swap3A_87] {strides = array<i32>} : memref<128xf32, #tpu.memory_space<vmem>>, vector<16xf32>,
    tpu.vector_store %arg15[%swap3A_87], %div3A_86 {strides = array<i32>} : memref<128xf32, #tpu.memory_space<vmem>>, vector<16xf32>,
    %get3A_89 = arith.constant 80 : index
    %get3A_90 = tpu.vector_load %arg12[%get3A_89] {strides = array<i32>} : memref<128xi32, #tpu.memory_space<vmem>>, vector<16xi32>,
    %gather3A_91 = tpu.vector_load_idx %arg14[%get3A_90] : memref<4096xf32, #tpu.memory_space<vmem>>[vector<16xi32>], vector<16xf32>,
    %neg3A_92 = arith.constant 0.000000e+00 : f32
    %neg3A_93 = vector.broadcast %neg3A_92 : f32 to vector<16xf32>
    %neg3A_94 = arith.subf %neg3A_93, %gather3A_91 : vector<16xf32>
    %exp3A_95 = math.exp %neg3A_94 : vector<16xf32>
    %add3A_96 = arith.constant 1.000000e+00 : f32
    %add3A_97 = vector.broadcast %add3A_96 : f32 to vector<16xf32>
    %add3A_98 = arith.addf %add3A_97, %exp3A_95 : vector<16xf32>
    %div3A_99 = arith.constant 1.000000e+00 : f32
    %div3A_100 = vector.broadcast %div3A_99 : f32 to vector<16xf32>
    %div3A_101 = arith.divf %div3A_100, %add3A_98 : vector<16xf32>
    %swap3A_102 = arith.constant 80 : index
    %swap3A_103 = tpu.vector_load %arg15[%swap3A_102] {strides = array<i32>} : memref<128xf32, #tpu.memory_space<vmem>>, vector<16xf32>,
    tpu.vector_store %arg15[%swap3A_102], %div3A_101 {strides = array<i32>} : memref<128xf32, #tpu.memory_space<vmem>>, vector<16xf32>,
    %get3A_104 = arith.constant 96 : index
    %get3A_105 = tpu.vector_load %arg12[%get3A_104] {strides = array<i32>} : memref<128xi32, #tpu.memory_space<vmem>>, vector<16xi32>,
    %gather3A_106 = tpu.vector_load_idx %arg14[%get3A_105] : memref<4096xf32, #tpu.memory_space<vmem>>[vector<16xi32>], vector<16xf32>,
    %neg3A_107 = arith.constant 0.000000e+00 : f32
    %neg3A_108 = vector.broadcast %neg3A_107 : f32 to vector<16xf32>
    %neg3A_109 = arith.subf %neg3A_108, %gather3A_106 : vector<16xf32>
    %exp3A_110 = math.exp %neg3A_109 : vector<16xf32>
    %add3A_111 = arith.constant 1.000000e+00 : f32
    %add3A_112 = vector.broadcast %add3A_111 : f32 to vector<16xf32>
    %add3A_113 = arith.addf %add3A_112, %exp3A_110 : vector<16xf32>
    %div3A_114 = arith.constant 1.000000e+00 : f32
    %div3A_115 = vector.broadcast %div3A_114 : f32 to vector<16xf32>
    %div3A_116 = arith.divf %div3A_115, %add3A_113 : vector<16xf32>
    %swap3A_117 = arith.constant 96 : index
    %swap3A_118 = tpu.vector_load %arg15[%swap3A_117] {strides = array<i32>} : memref<128xf32, #tpu.memory_space<vmem>>, vector<16xf32>,
    tpu.vector_store %arg15[%swap3A_117], %div3A_116 {strides = array<i32>} : memref<128xf32, #tpu.memory_space<vmem>>, vector<16xf32>,
    %get3A_119 = arith.constant 112 : index
    %get3A_120 = tpu.vector_load %arg12[%get3A_119] {strides = array<i32>} : memref<128xi32, #tpu.memory_space<vmem>>, vector<16xi32>,
    %gather3A_121 = tpu.vector_load_idx %arg14[%get3A_120] : memref<4096xf32, #tpu.memory_space<vmem>>[vector<16xi32>], vector<16xf32>,
    %neg3A_122 = arith.constant 0.000000e+00 : f32
    %neg3A_123 = vector.broadcast %neg3A_122 : f32 to vector<16xf32>
    %neg3A_124 = arith.subf %neg3A_123, %gather3A_121 : vector<16xf32>
    %exp3A_125 = math.exp %neg3A_124 : vector<16xf32>
    %add3A_126 = arith.constant 1.000000e+00 : f32
    %add3A_127 = vector.broadcast %add3A_126 : f32 to vector<16xf32>
    %add3A_128 = arith.addf %add3A_127, %exp3A_125 : vector<16xf32>
    %div3A_129 = arith.constant 1.000000e+00 : f32
    %div3A_130 = vector.broadcast %div3A_129 : f32 to vector<16xf32>
    %div3A_131 = arith.divf %div3A_130, %add3A_128 : vector<16xf32>
    %swap3A_132 = arith.constant 112 : index
    %swap3A_133 = tpu.vector_load %arg15[%swap3A_132] {strides = array<i32>} : memref<128xf32, #tpu.memory_space<vmem>>, vector<16xf32>,
    tpu.vector_store %arg15[%swap3A_132], %div3A_131 {strides = array<i32>} : memref<128xf32, #tpu.memory_space<vmem>>, vector<16xf32>,
    "tpu.region"() ({
      %run_scoped3A = tpu.sem_alloc : memref<!tpu.dma_semaphore, #tpu.memory_space<semaphore_mem>>
      %dma_start3A_279 = tpu.memref_slice %arg7[%mul3A_2] : memref<8192xf32, #tpu.memory_space<hbm>> -> memref<128xf32, #tpu.memory_space<hbm>>
      %dma_start3A_280 = tpu.memref_slice %arg7[%mul3A_2] : memref<8192xf32, #tpu.memory_space<hbm>> -> memref<128xf32, #tpu.memory_space<hbm>>
      tpu.enqueue_dma source(%arg15 : memref<128xf32, #tpu.memory_space<vmem>>) target(%dma_start3A_280 : memref<128xf32, #tpu.memory_space<hbm>>) target_semaphore(%run_scoped3A : memref<!tpu.dma_semaphore, #tpu.memory_space<semaphore_mem>>)
      %dma_wait3A_281 = tpu.memref_slice %arg7[%mul3A_2] : memref<8192xf32, #tpu.memory_space<hbm>> -> memref<128xf32, #tpu.memory_space<hbm>>
      %dma_wait3A_282 = tpu.memref_slice %arg7[%mul3A_2] : memref<8192xf32, #tpu.memory_space<hbm>> -> memref<128xf32, #tpu.memory_space<hbm>>
      tpu.wait_dma2 semaphore(%run_scoped3A : memref<!tpu.dma_semaphore, #tpu.memory_space<semaphore_mem>>) src(%arg15 : memref<128xf32, #tpu.memory_space<vmem>>) dst(%dma_wait3A_282 : memref<128xf32, #tpu.memory_space<hbm>>)
      tpu.yield
    }) : () -> ()
    %get3A_134 = arith.constant 0 : index
    %get3A_135 = tpu.vector_load %arg13[%get3A_134] {strides = array<i32>} : memref<128xi32, #tpu.memory_space<vmem>>, vector<16xi32>,
    %gather3A_136 = tpu.vector_load_idx %arg14[%get3A_135] : memref<4096xf32, #tpu.memory_space<vmem>>[vector<16xi32>], vector<16xf32>,
    %neg3A_137 = arith.constant 0.000000e+00 : f32
    %neg3A_138 = vector.broadcast %neg3A_137 : f32 to vector<16xf32>
    %neg3A_139 = arith.subf %neg3A_138, %gather3A_136 : vector<16xf32>
    %exp3A_140 = math.exp %neg3A_139 : vector<16xf32>
    %add3A_141 = arith.constant 1.000000e+00 : f32
    %add3A_142 = vector.broadcast %add3A_141 : f32 to vector<16xf32>
    %add3A_143 = arith.addf %add3A_142, %exp3A_140 : vector<16xf32>
    %div3A_144 = arith.constant 1.000000e+00 : f32
    %div3A_145 = vector.broadcast %div3A_144 : f32 to vector<16xf32>
    %div3A_146 = arith.divf %div3A_145, %add3A_143 : vector<16xf32>
    %swap3A_147 = arith.constant 0 : index
    %swap3A_148 = tpu.vector_load %arg15[%swap3A_147] {strides = array<i32>} : memref<128xf32, #tpu.memory_space<vmem>>, vector<16xf32>,
    tpu.vector_store %arg15[%swap3A_147], %div3A_146 {strides = array<i32>} : memref<128xf32, #tpu.memory_space<vmem>>, vector<16xf32>,
    %get3A_149 = arith.constant 16 : index
    %get3A_150 = tpu.vector_load %arg13[%get3A_149] {strides = array<i32>} : memref<128xi32, #tpu.memory_space<vmem>>, vector<16xi32>,
    %gather3A_151 = tpu.vector_load_idx %arg14[%get3A_150] : memref<4096xf32, #tpu.memory_space<vmem>>[vector<16xi32>], vector<16xf32>,
    %neg3A_152 = arith.constant 0.000000e+00 : f32
    %neg3A_153 = vector.broadcast %neg3A_152 : f32 to vector<16xf32>
    %neg3A_154 = arith.subf %neg3A_153, %gather3A_151 : vector<16xf32>
    %exp3A_155 = math.exp %neg3A_154 : vector<16xf32>
    %add3A_156 = arith.constant 1.000000e+00 : f32
    %add3A_157 = vector.broadcast %add3A_156 : f32 to vector<16xf32>
    %add3A_158 = arith.addf %add3A_157, %exp3A_155 : vector<16xf32>
    %div3A_159 = arith.constant 1.000000e+00 : f32
    %div3A_160 = vector.broadcast %div3A_159 : f32 to vector<16xf32>
    %div3A_161 = arith.divf %div3A_160, %add3A_158 : vector<16xf32>
    %swap3A_162 = arith.constant 16 : index
    %swap3A_163 = tpu.vector_load %arg15[%swap3A_162] {strides = array<i32>} : memref<128xf32, #tpu.memory_space<vmem>>, vector<16xf32>,
    tpu.vector_store %arg15[%swap3A_162], %div3A_161 {strides = array<i32>} : memref<128xf32, #tpu.memory_space<vmem>>, vector<16xf32>,
    %get3A_164 = arith.constant 32 : index
    %get3A_165 = tpu.vector_load %arg13[%get3A_164] {strides = array<i32>} : memref<128xi32, #tpu.memory_space<vmem>>, vector<16xi32>,
    %gather3A_166 = tpu.vector_load_idx %arg14[%get3A_165] : memref<4096xf32, #tpu.memory_space<vmem>>[vector<16xi32>], vector<16xf32>,
    %neg3A_167 = arith.constant 0.000000e+00 : f32
    %neg3A_168 = vector.broadcast %neg3A_167 : f32 to vector<16xf32>
    %neg3A_169 = arith.subf %neg3A_168, %gather3A_166 : vector<16xf32>
    %exp3A_170 = math.exp %neg3A_169 : vector<16xf32>
    %add3A_171 = arith.constant 1.000000e+00 : f32
    %add3A_172 = vector.broadcast %add3A_171 : f32 to vector<16xf32>
    %add3A_173 = arith.addf %add3A_172, %exp3A_170 : vector<16xf32>
    %div3A_174 = arith.constant 1.000000e+00 : f32
    %div3A_175 = vector.broadcast %div3A_174 : f32 to vector<16xf32>
    %div3A_176 = arith.divf %div3A_175, %add3A_173 : vector<16xf32>
    %swap3A_177 = arith.constant 32 : index
    %swap3A_178 = tpu.vector_load %arg15[%swap3A_177] {strides = array<i32>} : memref<128xf32, #tpu.memory_space<vmem>>, vector<16xf32>,
    tpu.vector_store %arg15[%swap3A_177], %div3A_176 {strides = array<i32>} : memref<128xf32, #tpu.memory_space<vmem>>, vector<16xf32>,
    %get3A_179 = arith.constant 48 : index
    %get3A_180 = tpu.vector_load %arg13[%get3A_179] {strides = array<i32>} : memref<128xi32, #tpu.memory_space<vmem>>, vector<16xi32>,
    %gather3A_181 = tpu.vector_load_idx %arg14[%get3A_180] : memref<4096xf32, #tpu.memory_space<vmem>>[vector<16xi32>], vector<16xf32>,
    %neg3A_182 = arith.constant 0.000000e+00 : f32
    %neg3A_183 = vector.broadcast %neg3A_182 : f32 to vector<16xf32>
    %neg3A_184 = arith.subf %neg3A_183, %gather3A_181 : vector<16xf32>
    %exp3A_185 = math.exp %neg3A_184 : vector<16xf32>
    %add3A_186 = arith.constant 1.000000e+00 : f32
    %add3A_187 = vector.broadcast %add3A_186 : f32 to vector<16xf32>
    %add3A_188 = arith.addf %add3A_187, %exp3A_185 : vector<16xf32>
    %div3A_189 = arith.constant 1.000000e+00 : f32
    %div3A_190 = vector.broadcast %div3A_189 : f32 to vector<16xf32>
    %div3A_191 = arith.divf %div3A_190, %add3A_188 : vector<16xf32>
    %swap3A_192 = arith.constant 48 : index
    %swap3A_193 = tpu.vector_load %arg15[%swap3A_192] {strides = array<i32>} : memref<128xf32, #tpu.memory_space<vmem>>, vector<16xf32>,
    tpu.vector_store %arg15[%swap3A_192], %div3A_191 {strides = array<i32>} : memref<128xf32, #tpu.memory_space<vmem>>, vector<16xf32>,
    %get3A_194 = arith.constant 64 : index
    %get3A_195 = tpu.vector_load %arg13[%get3A_194] {strides = array<i32>} : memref<128xi32, #tpu.memory_space<vmem>>, vector<16xi32>,
    %gather3A_196 = tpu.vector_load_idx %arg14[%get3A_195] : memref<4096xf32, #tpu.memory_space<vmem>>[vector<16xi32>], vector<16xf32>,
    %neg3A_197 = arith.constant 0.000000e+00 : f32
    %neg3A_198 = vector.broadcast %neg3A_197 : f32 to vector<16xf32>
    %neg3A_199 = arith.subf %neg3A_198, %gather3A_196 : vector<16xf32>
    %exp3A_200 = math.exp %neg3A_199 : vector<16xf32>
    %add3A_201 = arith.constant 1.000000e+00 : f32
    %add3A_202 = vector.broadcast %add3A_201 : f32 to vector<16xf32>
    %add3A_203 = arith.addf %add3A_202, %exp3A_200 : vector<16xf32>
    %div3A_204 = arith.constant 1.000000e+00 : f32
    %div3A_205 = vector.broadcast %div3A_204 : f32 to vector<16xf32>
    %div3A_206 = arith.divf %div3A_205, %add3A_203 : vector<16xf32>
    %swap3A_207 = arith.constant 64 : index
    %swap3A_208 = tpu.vector_load %arg15[%swap3A_207] {strides = array<i32>} : memref<128xf32, #tpu.memory_space<vmem>>, vector<16xf32>,
    tpu.vector_store %arg15[%swap3A_207], %div3A_206 {strides = array<i32>} : memref<128xf32, #tpu.memory_space<vmem>>, vector<16xf32>,
    %get3A_209 = arith.constant 80 : index
    %get3A_210 = tpu.vector_load %arg13[%get3A_209] {strides = array<i32>} : memref<128xi32, #tpu.memory_space<vmem>>, vector<16xi32>,
    %gather3A_211 = tpu.vector_load_idx %arg14[%get3A_210] : memref<4096xf32, #tpu.memory_space<vmem>>[vector<16xi32>], vector<16xf32>,
    %neg3A_212 = arith.constant 0.000000e+00 : f32
    %neg3A_213 = vector.broadcast %neg3A_212 : f32 to vector<16xf32>
    %neg3A_214 = arith.subf %neg3A_213, %gather3A_211 : vector<16xf32>
    %exp3A_215 = math.exp %neg3A_214 : vector<16xf32>
    %add3A_216 = arith.constant 1.000000e+00 : f32
    %add3A_217 = vector.broadcast %add3A_216 : f32 to vector<16xf32>
    %add3A_218 = arith.addf %add3A_217, %exp3A_215 : vector<16xf32>
    %div3A_219 = arith.constant 1.000000e+00 : f32
    %div3A_220 = vector.broadcast %div3A_219 : f32 to vector<16xf32>
    %div3A_221 = arith.divf %div3A_220, %add3A_218 : vector<16xf32>
    %swap3A_222 = arith.constant 80 : index
    %swap3A_223 = tpu.vector_load %arg15[%swap3A_222] {strides = array<i32>} : memref<128xf32, #tpu.memory_space<vmem>>, vector<16xf32>,
    tpu.vector_store %arg15[%swap3A_222], %div3A_221 {strides = array<i32>} : memref<128xf32, #tpu.memory_space<vmem>>, vector<16xf32>,
    %get3A_224 = arith.constant 96 : index
    %get3A_225 = tpu.vector_load %arg13[%get3A_224] {strides = array<i32>} : memref<128xi32, #tpu.memory_space<vmem>>, vector<16xi32>,
    %gather3A_226 = tpu.vector_load_idx %arg14[%get3A_225] : memref<4096xf32, #tpu.memory_space<vmem>>[vector<16xi32>], vector<16xf32>,
    %neg3A_227 = arith.constant 0.000000e+00 : f32
    %neg3A_228 = vector.broadcast %neg3A_227 : f32 to vector<16xf32>
    %neg3A_229 = arith.subf %neg3A_228, %gather3A_226 : vector<16xf32>
    %exp3A_230 = math.exp %neg3A_229 : vector<16xf32>
    %add3A_231 = arith.constant 1.000000e+00 : f32
    %add3A_232 = vector.broadcast %add3A_231 : f32 to vector<16xf32>
    %add3A_233 = arith.addf %add3A_232, %exp3A_230 : vector<16xf32>
    %div3A_234 = arith.constant 1.000000e+00 : f32
    %div3A_235 = vector.broadcast %div3A_234 : f32 to vector<16xf32>
    %div3A_236 = arith.divf %div3A_235, %add3A_233 : vector<16xf32>
    %swap3A_237 = arith.constant 96 : index
    %swap3A_238 = tpu.vector_load %arg15[%swap3A_237] {strides = array<i32>} : memref<128xf32, #tpu.memory_space<vmem>>, vector<16xf32>,
    tpu.vector_store %arg15[%swap3A_237], %div3A_236 {strides = array<i32>} : memref<128xf32, #tpu.memory_space<vmem>>, vector<16xf32>,
    %get3A_239 = arith.constant 112 : index
    %get3A_240 = tpu.vector_load %arg13[%get3A_239] {strides = array<i32>} : memref<128xi32, #tpu.memory_space<vmem>>, vector<16xi32>,
    %gather3A_241 = tpu.vector_load_idx %arg14[%get3A_240] : memref<4096xf32, #tpu.memory_space<vmem>>[vector<16xi32>], vector<16xf32>,
    %neg3A_242 = arith.constant 0.000000e+00 : f32
    %neg3A_243 = vector.broadcast %neg3A_242 : f32 to vector<16xf32>
    %neg3A_244 = arith.subf %neg3A_243, %gather3A_241 : vector<16xf32>
    %exp3A_245 = math.exp %neg3A_244 : vector<16xf32>
    %add3A_246 = arith.constant 1.000000e+00 : f32
    %add3A_247 = vector.broadcast %add3A_246 : f32 to vector<16xf32>
    %add3A_248 = arith.addf %add3A_247, %exp3A_245 : vector<16xf32>
    %div3A_249 = arith.constant 1.000000e+00 : f32
    %div3A_250 = vector.broadcast %div3A_249 : f32 to vector<16xf32>
    %div3A_251 = arith.divf %div3A_250, %add3A_248 : vector<16xf32>
    %swap3A_252 = arith.constant 112 : index
    %swap3A_253 = tpu.vector_load %arg15[%swap3A_252] {strides = array<i32>} : memref<128xf32, #tpu.memory_space<vmem>>, vector<16xf32>,
    tpu.vector_store %arg15[%swap3A_252], %div3A_251 {strides = array<i32>} : memref<128xf32, #tpu.memory_space<vmem>>, vector<16xf32>,
    "tpu.region"() ({
      %run_scoped3A = tpu.sem_alloc : memref<!tpu.dma_semaphore, #tpu.memory_space<semaphore_mem>>
      %dma_start3A_279 = tpu.memref_slice %arg7[%add3A_4] : memref<8192xf32, #tpu.memory_space<hbm>> -> memref<128xf32, #tpu.memory_space<hbm>>
      %dma_start3A_280 = tpu.memref_slice %arg7[%add3A_4] : memref<8192xf32, #tpu.memory_space<hbm>> -> memref<128xf32, #tpu.memory_space<hbm>>
      tpu.enqueue_dma source(%arg15 : memref<128xf32, #tpu.memory_space<vmem>>) target(%dma_start3A_280 : memref<128xf32, #tpu.memory_space<hbm>>) target_semaphore(%run_scoped3A : memref<!tpu.dma_semaphore, #tpu.memory_space<semaphore_mem>>)
      %dma_wait3A_281 = tpu.memref_slice %arg7[%add3A_4] : memref<8192xf32, #tpu.memory_space<hbm>> -> memref<128xf32, #tpu.memory_space<hbm>>
      %dma_wait3A_282 = tpu.memref_slice %arg7[%add3A_4] : memref<8192xf32, #tpu.memory_space<hbm>> -> memref<128xf32, #tpu.memory_space<hbm>>
      tpu.wait_dma2 semaphore(%run_scoped3A : memref<!tpu.dma_semaphore, #tpu.memory_space<semaphore_mem>>) src(%arg15 : memref<128xf32, #tpu.memory_space<vmem>>) dst(%dma_wait3A_282 : memref<128xf32, #tpu.memory_space<hbm>>)
      tpu.yield
    }) : () -> ()
    %dma_wait3A = arith.constant 0 : i32
    %dma_wait3A_254 = arith.constant 0 : i32
    %dma_wait3A_255 = tpu.memref_slice %arg2[%dma_wait3A, %dma_wait3A_254] : memref<4096x128xf32, #tpu.memory_space<hbm>> -> memref<4096x128xf32, #tpu.memory_space<hbm>>
    tpu.wait_indirect_dma semaphore(%arg17 : memref<!tpu.dma_semaphore, #tpu.memory_space<semaphore_mem>>) src(%dma_wait3A_255 : memref<4096x128xf32, #tpu.memory_space<hbm>>) dst(%arg8 : memref<128x128xf32, #tpu.memory_space<vmem>>)
    %dma_wait3A_256 = arith.constant 0 : i32
    %dma_wait3A_257 = tpu.memref_slice %arg3[%mul3A_2, %dma_wait3A_256] : memref<8192x128xf32, #tpu.memory_space<hbm>> -> memref<128x128xf32, #tpu.memory_space<hbm>>
    %dma_wait3A_258 = arith.constant 0 : i32
    %dma_wait3A_259 = tpu.memref_slice %arg3[%mul3A_2, %dma_wait3A_258] : memref<8192x128xf32, #tpu.memory_space<hbm>> -> memref<128x128xf32, #tpu.memory_space<hbm>>
    tpu.wait_dma2 semaphore(%arg19 : memref<!tpu.dma_semaphore, #tpu.memory_space<semaphore_mem>>) src(%dma_wait3A_259 : memref<128x128xf32, #tpu.memory_space<hbm>>) dst(%arg10 : memref<128x128xf32, #tpu.memory_space<vmem>>)
    %dma_start3A_260 = arith.constant 0 : i32
    %dma_start3A_261 = arith.constant 0 : i32
    %dma_start3A_262 = tpu.memref_slice %arg6[%dma_start3A_260, %dma_start3A_261] : memref<4096x128xf32, #tpu.memory_space<hbm>> -> memref<4096x128xf32, #tpu.memory_space<hbm>>
    tpu.enqueue_indirect_dma source(%arg8 : memref<128x128xf32, #tpu.memory_space<vmem>>) target(%dma_start3A_262 : memref<4096x128xf32, #tpu.memory_space<hbm>>) offsets(%arg12 : memref<128xi32, #tpu.memory_space<vmem>>) semaphore(%arg21 : memref<!tpu.dma_semaphore, #tpu.memory_space<semaphore_mem>>)
    %dma_wait3A_263 = arith.constant 0 : i32
    %dma_wait3A_264 = arith.constant 0 : i32
    %dma_wait3A_265 = tpu.memref_slice %arg2[%dma_wait3A_263, %dma_wait3A_264] : memref<4096x128xf32, #tpu.memory_space<hbm>> -> memref<4096x128xf32, #tpu.memory_space<hbm>>
    tpu.wait_indirect_dma semaphore(%arg18 : memref<!tpu.dma_semaphore, #tpu.memory_space<semaphore_mem>>) src(%dma_wait3A_265 : memref<4096x128xf32, #tpu.memory_space<hbm>>) dst(%arg9 : memref<128x128xf32, #tpu.memory_space<vmem>>)
    %dma_wait3A_266 = arith.constant 0 : i32
    %dma_wait3A_267 = tpu.memref_slice %arg3[%add3A_4, %dma_wait3A_266] : memref<8192x128xf32, #tpu.memory_space<hbm>> -> memref<128x128xf32, #tpu.memory_space<hbm>>
    %dma_wait3A_268 = arith.constant 0 : i32
    %dma_wait3A_269 = tpu.memref_slice %arg3[%add3A_4, %dma_wait3A_268] : memref<8192x128xf32, #tpu.memory_space<hbm>> -> memref<128x128xf32, #tpu.memory_space<hbm>>
    tpu.wait_dma2 semaphore(%arg20 : memref<!tpu.dma_semaphore, #tpu.memory_space<semaphore_mem>>) src(%dma_wait3A_269 : memref<128x128xf32, #tpu.memory_space<hbm>>) dst(%arg11 : memref<128x128xf32, #tpu.memory_space<vmem>>)
    %dma_start3A_270 = arith.constant 0 : i32
    %dma_start3A_271 = arith.constant 0 : i32
    %dma_start3A_272 = tpu.memref_slice %arg6[%dma_start3A_270, %dma_start3A_271] : memref<4096x128xf32, #tpu.memory_space<hbm>> -> memref<4096x128xf32, #tpu.memory_space<hbm>>
    tpu.enqueue_indirect_dma source(%arg9 : memref<128x128xf32, #tpu.memory_space<vmem>>) target(%dma_start3A_272 : memref<4096x128xf32, #tpu.memory_space<hbm>>) offsets(%arg13 : memref<128xi32, #tpu.memory_space<vmem>>) semaphore(%arg21 : memref<!tpu.dma_semaphore, #tpu.memory_space<semaphore_mem>>)
    %dma_wait3A_273 = arith.constant 0 : i32
    %dma_wait3A_274 = arith.constant 0 : i32
    %dma_wait3A_275 = tpu.memref_slice %arg6[%dma_wait3A_273, %dma_wait3A_274] : memref<4096x128xf32, #tpu.memory_space<hbm>> -> memref<4096x128xf32, #tpu.memory_space<hbm>>
    tpu.wait_indirect_dma semaphore(%arg21 : memref<!tpu.dma_semaphore, #tpu.memory_space<semaphore_mem>>) src(%arg8 : memref<128x128xf32, #tpu.memory_space<vmem>>) dst(%dma_wait3A_275 : memref<4096x128xf32, #tpu.memory_space<hbm>>)
    %dma_wait3A_276 = arith.constant 0 : i32
    %dma_wait3A_277 = arith.constant 0 : i32
    %dma_wait3A_278 = tpu.memref_slice %arg6[%dma_wait3A_276, %dma_wait3A_277] : memref<4096x128xf32, #tpu.memory_space<hbm>> -> memref<4096x128xf32, #tpu.memory_space<hbm>>
    tpu.wait_indirect_dma semaphore(%arg21 : memref<!tpu.dma_semaphore, #tpu.memory_space<semaphore_mem>>) src(%arg9 : memref<128x128xf32, #tpu.memory_space<vmem>>) dst(%dma_wait3A_278 : memref<4096x128xf32, #tpu.memory_space<hbm>>)
    return
  }
}

module attributes {stable_mosaic.version = 14 : i64} {
  func.func @_k1_body(%arg0: i32, %arg1: memref<1x2048x128xf32, #tpu.memory_space<vmem>>, %arg2: memref<4096x128xf32, #tpu.memory_space<vmem>>, %arg3: memref<4x128xf32, #tpu.memory_space<vmem>>, %arg4: memref<16x128xi32, #tpu.memory_space<vmem>>, %arg5: memref<32x128xf32, #tpu.memory_space<vmem>>, %arg6: memref<4096x128xf32, #tpu.memory_space<vmem>>) attributes {dimension_semantics = [#tpu.dimension_semantics<arbitrary>], iteration_bounds = array<i64: 4>, scalar_prefetch = 0 : i64, scratch_operands = 1 : i64, tpu.core_type = #tpu.core_type<tc>, window_params = [{transform_indices = @transform_0, window_bounds = array<i64: 1, 2048, 128>}, {pipeline_mode = #tpu.pipeline_mode<synchronous>, transform_indices = @transform_1, window_bounds = array<i64: 4096, 128>}, {pipeline_mode = #tpu.pipeline_mode<synchronous>, transform_indices = @transform_2, window_bounds = array<i64: 4, 128>}, {transform_indices = @transform_3, window_bounds = array<i64: 16, 128>}, {pipeline_mode = #tpu.pipeline_mode<synchronous>, transform_indices = @transform_4, window_bounds = array<i64: 32, 128>}]} {
    %eq3A = arith.constant 0 : i32
    %eq3A_0 = arith.cmpi eq, %arg0, %eq3A : i32
    %convert_element_type3A = arith.extui %eq3A_0 : i1 to i32
    %cond3A = arith.constant 0 : i32
    %cond3A_1 = arith.cmpi ne, %convert_element_type3A, %cond3A : i32
    scf.if %cond3A_1 {
      %get3A_117 = arith.constant 0 : index
      %get3A_118 = arith.constant 0 : index
      %get3A_119 = vector.load %arg2[%get3A_117, %get3A_118] : memref<4096x128xf32, #tpu.memory_space<vmem>>, vector<4096x128xf32>
      %mul3A = arith.mulf %get3A_119, %get3A_119 : vector<4096x128xf32>
      %reduce_sum3A = arith.constant dense<0.000000e+00> : vector<4096xf32>
      %reduce_sum3A_120 = vector.multi_reduction <add>, %mul3A, %reduce_sum3A [1] : vector<4096x128xf32> to vector<4096xf32>
      %broadcast_in_dim3A = vector.shape_cast %reduce_sum3A_120 : vector<4096xf32> to vector<4096x1xf32>
      %sqrt3A = math.sqrt %broadcast_in_dim3A : vector<4096x1xf32>
      %add3A = arith.constant 9.99999993E-9 : f32
      %add3A_121 = vector.broadcast %add3A : f32 to vector<4096x1xf32>
      %add3A_122 = arith.addf %sqrt3A, %add3A_121 : vector<4096x1xf32>
      %div3A = vector.broadcast %add3A_122 : vector<4096x1xf32> to vector<4096x128xf32>
      %div3A_123 = arith.divf %get3A_119, %div3A : vector<4096x128xf32>
      %swap3A_124 = arith.constant 0 : index
      %swap3A_125 = arith.constant 0 : index
      %swap3A_126 = vector.load %arg6[%swap3A_124, %swap3A_125] : memref<4096x128xf32, #tpu.memory_space<vmem>>, vector<4096x128xf32>
      tpu.vector_store %arg6[%swap3A_124, %swap3A_125], %div3A_123 {strides = array<i32>} : memref<4096x128xf32, #tpu.memory_space<vmem>>, vector<4096x128xf32>,
      %get3A_127 = arith.constant 0 : index
      %get3A_128 = arith.constant 0 : index
      %get3A_129 = vector.load %arg3[%get3A_127, %get3A_128] : memref<4x128xf32, #tpu.memory_space<vmem>>, vector<4x128xf32>
      %dot_general3A_130 = arith.constant dense<0.000000e+00> : vector<4096x4xf32>
      %dot_general3A_131 = tpu.matmul %get3A_119, %get3A_129, %dot_general3A_130 {dimension_numbers = #tpu.dot_dimension_numbers<[1], [1], [0], [0], [0, 0, 1, 0], [], []>, transpose_lhs_hint = false} : vector<4096x128xf32>, vector<4x128xf32>, vector<4096x4xf32> -> vector<4096x4xf32>
      %reduce_max3A = arith.constant dense<0xFF800000> : vector<4096xf32>
      %reduce_max3A_132 = vector.multi_reduction <maximumf>, %dot_general3A_131, %reduce_max3A [1] : vector<4096x4xf32> to vector<4096xf32>
      %reshape3A_133 = vector.shape_cast %reduce_max3A_132 : vector<4096xf32> to vector<32x128xf32>
      %swap3A_134 = arith.constant 0 : index
      %swap3A_135 = arith.constant 0 : index
      %swap3A_136 = vector.load %arg5[%swap3A_134, %swap3A_135] : memref<32x128xf32, #tpu.memory_space<vmem>>, vector<32x128xf32>
      tpu.vector_store %arg5[%swap3A_134, %swap3A_135], %reshape3A_133 {strides = array<i32>} : memref<32x128xf32, #tpu.memory_space<vmem>>, vector<32x128xf32>,
    } else {
    }
    %get3A = arith.constant 0 : index
    %get3A_2 = arith.constant 0 : index
    %get3A_3 = arith.constant 0 : index
    %get3A_4 = vector.load %arg1[%get3A, %get3A_2, %get3A_3] : memref<1x2048x128xf32, #tpu.memory_space<vmem>>, vector<1x256x128xf32>
    %get3A_5 = vector.shape_cast %get3A_4 : vector<1x256x128xf32> to vector<256x128xf32>
    %get3A_6 = arith.constant 0 : index
    %get3A_7 = arith.constant 0 : index
    %get3A_8 = vector.load %arg6[%get3A_6, %get3A_7] : memref<4096x128xf32, #tpu.memory_space<vmem>>, vector<4096x128xf32>
    %dot_general3A = arith.constant dense<0.000000e+00> : vector<256x4096xf32>
    %dot_general3A_9 = tpu.matmul %get3A_5, %get3A_8, %dot_general3A {dimension_numbers = #tpu.dot_dimension_numbers<[1], [1], [0], [0], [0, 0, 1, 0], [], []>, transpose_lhs_hint = false} : vector<256x128xf32>, vector<4096x128xf32>, vector<256x4096xf32> -> vector<256x4096xf32>
    %argmax3A = tpu.reduce_index %dot_general3A_9 {axis = 1 : i32, kind = #tpu.reduction_kind<arg_max>} : vector<256x4096xf32> -> vector<256xi32>
    %reshape3A = vector.shape_cast %argmax3A : vector<256xi32> to vector<2x128xi32>
    %swap3A = arith.constant 0 : index
    %swap3A_10 = arith.constant 0 : index
    %swap3A_11 = vector.load %arg4[%swap3A, %swap3A_10] : memref<16x128xi32, #tpu.memory_space<vmem>>, vector<2x128xi32>
    tpu.vector_store %arg4[%swap3A, %swap3A_10], %reshape3A {strides = array<i32>} : memref<16x128xi32, #tpu.memory_space<vmem>>, vector<2x128xi32>,
    %get3A_12 = arith.constant 0 : index
    %get3A_13 = arith.constant 256 : index
    %get3A_14 = arith.constant 0 : index
    %get3A_15 = vector.load %arg1[%get3A_12, %get3A_13, %get3A_14] : memref<1x2048x128xf32, #tpu.memory_space<vmem>>, vector<1x256x128xf32>
    %get3A_16 = vector.shape_cast %get3A_15 : vector<1x256x128xf32> to vector<256x128xf32>
    %get3A_17 = arith.constant 0 : index
    %get3A_18 = arith.constant 0 : index
    %get3A_19 = vector.load %arg6[%get3A_17, %get3A_18] : memref<4096x128xf32, #tpu.memory_space<vmem>>, vector<4096x128xf32>
    %dot_general3A_20 = arith.constant dense<0.000000e+00> : vector<256x4096xf32>
    %dot_general3A_21 = tpu.matmul %get3A_16, %get3A_19, %dot_general3A_20 {dimension_numbers = #tpu.dot_dimension_numbers<[1], [1], [0], [0], [0, 0, 1, 0], [], []>, transpose_lhs_hint = false} : vector<256x128xf32>, vector<4096x128xf32>, vector<256x4096xf32> -> vector<256x4096xf32>
    %argmax3A_22 = tpu.reduce_index %dot_general3A_21 {axis = 1 : i32, kind = #tpu.reduction_kind<arg_max>} : vector<256x4096xf32> -> vector<256xi32>
    %reshape3A_23 = vector.shape_cast %argmax3A_22 : vector<256xi32> to vector<2x128xi32>
    %swap3A_24 = arith.constant 2 : index
    %swap3A_25 = arith.constant 0 : index
    %swap3A_26 = vector.load %arg4[%swap3A_24, %swap3A_25] : memref<16x128xi32, #tpu.memory_space<vmem>>, vector<2x128xi32>
    tpu.vector_store %arg4[%swap3A_24, %swap3A_25], %reshape3A_23 {strides = array<i32>} : memref<16x128xi32, #tpu.memory_space<vmem>>, vector<2x128xi32>,
    %get3A_27 = arith.constant 0 : index
    %get3A_28 = arith.constant 512 : index
    %get3A_29 = arith.constant 0 : index
    %get3A_30 = vector.load %arg1[%get3A_27, %get3A_28, %get3A_29] : memref<1x2048x128xf32, #tpu.memory_space<vmem>>, vector<1x256x128xf32>
    %get3A_31 = vector.shape_cast %get3A_30 : vector<1x256x128xf32> to vector<256x128xf32>
    %get3A_32 = arith.constant 0 : index
    %get3A_33 = arith.constant 0 : index
    %get3A_34 = vector.load %arg6[%get3A_32, %get3A_33] : memref<4096x128xf32, #tpu.memory_space<vmem>>, vector<4096x128xf32>
    %dot_general3A_35 = arith.constant dense<0.000000e+00> : vector<256x4096xf32>
    %dot_general3A_36 = tpu.matmul %get3A_31, %get3A_34, %dot_general3A_35 {dimension_numbers = #tpu.dot_dimension_numbers<[1], [1], [0], [0], [0, 0, 1, 0], [], []>, transpose_lhs_hint = false} : vector<256x128xf32>, vector<4096x128xf32>, vector<256x4096xf32> -> vector<256x4096xf32>
    %argmax3A_37 = tpu.reduce_index %dot_general3A_36 {axis = 1 : i32, kind = #tpu.reduction_kind<arg_max>} : vector<256x4096xf32> -> vector<256xi32>
    %reshape3A_38 = vector.shape_cast %argmax3A_37 : vector<256xi32> to vector<2x128xi32>
    %swap3A_39 = arith.constant 4 : index
    %swap3A_40 = arith.constant 0 : index
    %swap3A_41 = vector.load %arg4[%swap3A_39, %swap3A_40] : memref<16x128xi32, #tpu.memory_space<vmem>>, vector<2x128xi32>
    tpu.vector_store %arg4[%swap3A_39, %swap3A_40], %reshape3A_38 {strides = array<i32>} : memref<16x128xi32, #tpu.memory_space<vmem>>, vector<2x128xi32>,
    %get3A_42 = arith.constant 0 : index
    %get3A_43 = arith.constant 768 : index
    %get3A_44 = arith.constant 0 : index
    %get3A_45 = vector.load %arg1[%get3A_42, %get3A_43, %get3A_44] : memref<1x2048x128xf32, #tpu.memory_space<vmem>>, vector<1x256x128xf32>
    %get3A_46 = vector.shape_cast %get3A_45 : vector<1x256x128xf32> to vector<256x128xf32>
    %get3A_47 = arith.constant 0 : index
    %get3A_48 = arith.constant 0 : index
    %get3A_49 = vector.load %arg6[%get3A_47, %get3A_48] : memref<4096x128xf32, #tpu.memory_space<vmem>>, vector<4096x128xf32>
    %dot_general3A_50 = arith.constant dense<0.000000e+00> : vector<256x4096xf32>
    %dot_general3A_51 = tpu.matmul %get3A_46, %get3A_49, %dot_general3A_50 {dimension_numbers = #tpu.dot_dimension_numbers<[1], [1], [0], [0], [0, 0, 1, 0], [], []>, transpose_lhs_hint = false} : vector<256x128xf32>, vector<4096x128xf32>, vector<256x4096xf32> -> vector<256x4096xf32>
    %argmax3A_52 = tpu.reduce_index %dot_general3A_51 {axis = 1 : i32, kind = #tpu.reduction_kind<arg_max>} : vector<256x4096xf32> -> vector<256xi32>
    %reshape3A_53 = vector.shape_cast %argmax3A_52 : vector<256xi32> to vector<2x128xi32>
    %swap3A_54 = arith.constant 6 : index
    %swap3A_55 = arith.constant 0 : index
    %swap3A_56 = vector.load %arg4[%swap3A_54, %swap3A_55] : memref<16x128xi32, #tpu.memory_space<vmem>>, vector<2x128xi32>
    tpu.vector_store %arg4[%swap3A_54, %swap3A_55], %reshape3A_53 {strides = array<i32>} : memref<16x128xi32, #tpu.memory_space<vmem>>, vector<2x128xi32>,
    %get3A_57 = arith.constant 0 : index
    %get3A_58 = arith.constant 1024 : index
    %get3A_59 = arith.constant 0 : index
    %get3A_60 = vector.load %arg1[%get3A_57, %get3A_58, %get3A_59] : memref<1x2048x128xf32, #tpu.memory_space<vmem>>, vector<1x256x128xf32>
    %get3A_61 = vector.shape_cast %get3A_60 : vector<1x256x128xf32> to vector<256x128xf32>
    %get3A_62 = arith.constant 0 : index
    %get3A_63 = arith.constant 0 : index
    %get3A_64 = vector.load %arg6[%get3A_62, %get3A_63] : memref<4096x128xf32, #tpu.memory_space<vmem>>, vector<4096x128xf32>
    %dot_general3A_65 = arith.constant dense<0.000000e+00> : vector<256x4096xf32>
    %dot_general3A_66 = tpu.matmul %get3A_61, %get3A_64, %dot_general3A_65 {dimension_numbers = #tpu.dot_dimension_numbers<[1], [1], [0], [0], [0, 0, 1, 0], [], []>, transpose_lhs_hint = false} : vector<256x128xf32>, vector<4096x128xf32>, vector<256x4096xf32> -> vector<256x4096xf32>
    %argmax3A_67 = tpu.reduce_index %dot_general3A_66 {axis = 1 : i32, kind = #tpu.reduction_kind<arg_max>} : vector<256x4096xf32> -> vector<256xi32>
    %reshape3A_68 = vector.shape_cast %argmax3A_67 : vector<256xi32> to vector<2x128xi32>
    %swap3A_69 = arith.constant 8 : index
    %swap3A_70 = arith.constant 0 : index
    %swap3A_71 = vector.load %arg4[%swap3A_69, %swap3A_70] : memref<16x128xi32, #tpu.memory_space<vmem>>, vector<2x128xi32>
    tpu.vector_store %arg4[%swap3A_69, %swap3A_70], %reshape3A_68 {strides = array<i32>} : memref<16x128xi32, #tpu.memory_space<vmem>>, vector<2x128xi32>,
    %get3A_72 = arith.constant 0 : index
    %get3A_73 = arith.constant 1280 : index
    %get3A_74 = arith.constant 0 : index
    %get3A_75 = vector.load %arg1[%get3A_72, %get3A_73, %get3A_74] : memref<1x2048x128xf32, #tpu.memory_space<vmem>>, vector<1x256x128xf32>
    %get3A_76 = vector.shape_cast %get3A_75 : vector<1x256x128xf32> to vector<256x128xf32>
    %get3A_77 = arith.constant 0 : index
    %get3A_78 = arith.constant 0 : index
    %get3A_79 = vector.load %arg6[%get3A_77, %get3A_78] : memref<4096x128xf32, #tpu.memory_space<vmem>>, vector<4096x128xf32>
    %dot_general3A_80 = arith.constant dense<0.000000e+00> : vector<256x4096xf32>
    %dot_general3A_81 = tpu.matmul %get3A_76, %get3A_79, %dot_general3A_80 {dimension_numbers = #tpu.dot_dimension_numbers<[1], [1], [0], [0], [0, 0, 1, 0], [], []>, transpose_lhs_hint = false} : vector<256x128xf32>, vector<4096x128xf32>, vector<256x4096xf32> -> vector<256x4096xf32>
    %argmax3A_82 = tpu.reduce_index %dot_general3A_81 {axis = 1 : i32, kind = #tpu.reduction_kind<arg_max>} : vector<256x4096xf32> -> vector<256xi32>
    %reshape3A_83 = vector.shape_cast %argmax3A_82 : vector<256xi32> to vector<2x128xi32>
    %swap3A_84 = arith.constant 10 : index
    %swap3A_85 = arith.constant 0 : index
    %swap3A_86 = vector.load %arg4[%swap3A_84, %swap3A_85] : memref<16x128xi32, #tpu.memory_space<vmem>>, vector<2x128xi32>
    tpu.vector_store %arg4[%swap3A_84, %swap3A_85], %reshape3A_83 {strides = array<i32>} : memref<16x128xi32, #tpu.memory_space<vmem>>, vector<2x128xi32>,
    %get3A_87 = arith.constant 0 : index
    %get3A_88 = arith.constant 1536 : index
    %get3A_89 = arith.constant 0 : index
    %get3A_90 = vector.load %arg1[%get3A_87, %get3A_88, %get3A_89] : memref<1x2048x128xf32, #tpu.memory_space<vmem>>, vector<1x256x128xf32>
    %get3A_91 = vector.shape_cast %get3A_90 : vector<1x256x128xf32> to vector<256x128xf32>
    %get3A_92 = arith.constant 0 : index
    %get3A_93 = arith.constant 0 : index
    %get3A_94 = vector.load %arg6[%get3A_92, %get3A_93] : memref<4096x128xf32, #tpu.memory_space<vmem>>, vector<4096x128xf32>
    %dot_general3A_95 = arith.constant dense<0.000000e+00> : vector<256x4096xf32>
    %dot_general3A_96 = tpu.matmul %get3A_91, %get3A_94, %dot_general3A_95 {dimension_numbers = #tpu.dot_dimension_numbers<[1], [1], [0], [0], [0, 0, 1, 0], [], []>, transpose_lhs_hint = false} : vector<256x128xf32>, vector<4096x128xf32>, vector<256x4096xf32> -> vector<256x4096xf32>
    %argmax3A_97 = tpu.reduce_index %dot_general3A_96 {axis = 1 : i32, kind = #tpu.reduction_kind<arg_max>} : vector<256x4096xf32> -> vector<256xi32>
    %reshape3A_98 = vector.shape_cast %argmax3A_97 : vector<256xi32> to vector<2x128xi32>
    %swap3A_99 = arith.constant 12 : index
    %swap3A_100 = arith.constant 0 : index
    %swap3A_101 = vector.load %arg4[%swap3A_99, %swap3A_100] : memref<16x128xi32, #tpu.memory_space<vmem>>, vector<2x128xi32>
    tpu.vector_store %arg4[%swap3A_99, %swap3A_100], %reshape3A_98 {strides = array<i32>} : memref<16x128xi32, #tpu.memory_space<vmem>>, vector<2x128xi32>,
    %get3A_102 = arith.constant 0 : index
    %get3A_103 = arith.constant 1792 : index
    %get3A_104 = arith.constant 0 : index
    %get3A_105 = vector.load %arg1[%get3A_102, %get3A_103, %get3A_104] : memref<1x2048x128xf32, #tpu.memory_space<vmem>>, vector<1x256x128xf32>
    %get3A_106 = vector.shape_cast %get3A_105 : vector<1x256x128xf32> to vector<256x128xf32>
    %get3A_107 = arith.constant 0 : index
    %get3A_108 = arith.constant 0 : index
    %get3A_109 = vector.load %arg6[%get3A_107, %get3A_108] : memref<4096x128xf32, #tpu.memory_space<vmem>>, vector<4096x128xf32>
    %dot_general3A_110 = arith.constant dense<0.000000e+00> : vector<256x4096xf32>
    %dot_general3A_111 = tpu.matmul %get3A_106, %get3A_109, %dot_general3A_110 {dimension_numbers = #tpu.dot_dimension_numbers<[1], [1], [0], [0], [0, 0, 1, 0], [], []>, transpose_lhs_hint = false} : vector<256x128xf32>, vector<4096x128xf32>, vector<256x4096xf32> -> vector<256x4096xf32>
    %argmax3A_112 = tpu.reduce_index %dot_general3A_111 {axis = 1 : i32, kind = #tpu.reduction_kind<arg_max>} : vector<256x4096xf32> -> vector<256xi32>
    %reshape3A_113 = vector.shape_cast %argmax3A_112 : vector<256xi32> to vector<2x128xi32>
    %swap3A_114 = arith.constant 14 : index
    %swap3A_115 = arith.constant 0 : index
    %swap3A_116 = vector.load %arg4[%swap3A_114, %swap3A_115] : memref<16x128xi32, #tpu.memory_space<vmem>>, vector<2x128xi32>
    tpu.vector_store %arg4[%swap3A_114, %swap3A_115], %reshape3A_113 {strides = array<i32>} : memref<16x128xi32, #tpu.memory_space<vmem>>, vector<2x128xi32>,
    return
  }
  func.func @transform_0(%arg0: i32) -> (i32, i32, i32) {
    %c0_i32 = arith.constant 0 : i32
    %c0_i32_0 = arith.constant 0 : i32
    %c0_i32_1 = arith.constant 0 : i32
    return %arg0, %c0_i32, %c0_i32_0 : i32, i32, i32
  }
  func.func @transform_1(%arg0: i32) -> (i32, i32) {
    %c0_i32 = arith.constant 0 : i32
    %c0_i32_0 = arith.constant 0 : i32
    %c0_i32_1 = arith.constant 0 : i32
    return %c0_i32, %c0_i32_0 : i32, i32
  }
  func.func @transform_2(%arg0: i32) -> (i32, i32) {
    %c0_i32 = arith.constant 0 : i32
    %c0_i32_0 = arith.constant 0 : i32
    %c0_i32_1 = arith.constant 0 : i32
    return %c0_i32, %c0_i32_0 : i32, i32
  }
  func.func @transform_3(%arg0: i32) -> (i32, i32) {
    %c0_i32 = arith.constant 0 : i32
    %c0_i32_0 = arith.constant 0 : i32
    return %arg0, %c0_i32 : i32, i32
  }
  func.func @transform_4(%arg0: i32) -> (i32, i32) {
    %c0_i32 = arith.constant 0 : i32
    %c0_i32_0 = arith.constant 0 : i32
    %c0_i32_1 = arith.constant 0 : i32
    return %c0_i32, %c0_i32_0 : i32, i32
  }
}

module attributes {stable_mosaic.version = 14 : i64} {
  func.func @_k3_body(%arg0: i32, %arg1: memref<4x1024x128xf32, #tpu.memory_space<vmem>>, %arg2: memref<128x128xf32, #tpu.memory_space<vmem>>, %arg3: memref<1x128xf32, #tpu.memory_space<vmem>>, %arg4: memref<8x128xf32, #tpu.memory_space<vmem>>, %arg5: memref<8x128xf32, #tpu.memory_space<vmem>>, %arg6: memref<8x128xf32, #tpu.memory_space<vmem>>, %arg7: memref<8x128xf32, #tpu.memory_space<vmem>>, %arg8: memref<1024x128xf32, #tpu.memory_space<vmem>>) attributes {dimension_semantics = [#tpu.dimension_semantics<arbitrary>], iteration_bounds = array<i64: 2>, scalar_prefetch = 0 : i64, scratch_operands = 0 : i64, tpu.core_type = #tpu.core_type<tc>, window_params = [{transform_indices = @transform_0, window_bounds = array<i64: 4, 1024, 128>}, {pipeline_mode = #tpu.pipeline_mode<synchronous>, transform_indices = @transform_1, window_bounds = array<i64: 128, 128>}, {pipeline_mode = #tpu.pipeline_mode<synchronous>, transform_indices = @transform_2, window_bounds = array<i64: 1, 128>}, {transform_indices = @transform_3, window_bounds = array<i64: 8, 128>}, {transform_indices = @transform_4, window_bounds = array<i64: 8, 128>}, {transform_indices = @transform_5, window_bounds = array<i64: 8, 128>}, {transform_indices = @transform_6, window_bounds = array<i64: 8, 128>}, {transform_indices = @transform_7, window_bounds = array<i64: 1024, 128>}]} {
    %get3A = arith.constant 0 : index
    %get3A_0 = arith.constant 0 : index
    %get3A_1 = vector.load %arg2[%get3A, %get3A_0] : memref<128x128xf32, #tpu.memory_space<vmem>>, vector<128x128xf32>
    %get3A_2 = arith.constant 0 : index
    %get3A_3 = arith.constant 0 : index
    %get3A_4 = arith.constant 0 : index
    %get3A_5 = vector.load %arg1[%get3A_2, %get3A_3, %get3A_4] : memref<4x1024x128xf32, #tpu.memory_space<vmem>>, vector<1x1024x128xf32>
    %get3A_6 = vector.shape_cast %get3A_5 : vector<1x1024x128xf32> to vector<1024x128xf32>
    %dot_general3A = arith.constant dense<0.000000e+00> : vector<1024x128xf32>
    %dot_general3A_7 = tpu.matmul %get3A_6, %get3A_1, %dot_general3A {dimension_numbers = #tpu.dot_dimension_numbers<[1], [0], [0], [1], [0, 0, 1, 1], [], []>, transpose_lhs_hint = false} : vector<1024x128xf32>, vector<128x128xf32>, vector<1024x128xf32> -> vector<1024x128xf32>
    %get3A_8 = arith.constant 0 : index
    %get3A_9 = arith.constant 0 : index
    %get3A_10 = vector.load %arg3[%get3A_8, %get3A_9] : memref<1x128xf32, #tpu.memory_space<vmem>>, vector<1x128xf32>
    %add3A = vector.broadcast %get3A_10 : vector<1x128xf32> to vector<1024x128xf32>
    %add3A_11 = arith.addf %dot_general3A_7, %add3A : vector<1024x128xf32>
    %integer_pow3A = arith.mulf %add3A_11, %add3A_11 : vector<1024x128xf32>
    %integer_pow3A_12 = arith.mulf %add3A_11, %integer_pow3A : vector<1024x128xf32>
    %mul3A = arith.constant 4.471500e-02 : f32
    %mul3A_13 = vector.broadcast %mul3A : f32 to vector<1024x128xf32>
    %mul3A_14 = arith.mulf %mul3A_13, %integer_pow3A_12 : vector<1024x128xf32>
    %add3A_15 = arith.addf %add3A_11, %mul3A_14 : vector<1024x128xf32>
    %mul3A_16 = arith.constant 0.797884583 : f32
    %mul3A_17 = vector.broadcast %mul3A_16 : f32 to vector<1024x128xf32>
    %mul3A_18 = arith.mulf %mul3A_17, %add3A_15 : vector<1024x128xf32>
    %tanh3A = math.tanh %mul3A_18 : vector<1024x128xf32>
    %add3A_19 = arith.constant 1.000000e+00 : f32
    %add3A_20 = vector.broadcast %add3A_19 : f32 to vector<1024x128xf32>
    %add3A_21 = arith.addf %add3A_20, %tanh3A : vector<1024x128xf32>
    %mul3A_22 = arith.constant 5.000000e-01 : f32
    %mul3A_23 = vector.broadcast %mul3A_22 : f32 to vector<1024x128xf32>
    %mul3A_24 = arith.mulf %mul3A_23, %add3A_21 : vector<1024x128xf32>
    %mul3A_25 = arith.mulf %add3A_11, %mul3A_24 : vector<1024x128xf32>
    %get3A_26 = arith.constant 0 : index
    %get3A_27 = arith.constant 0 : index
    %get3A_28 = vector.load %arg4[%get3A_26, %get3A_27] : memref<8x128xf32, #tpu.memory_space<vmem>>, vector<1x128xf32>
    %transpose3A = tpu.transpose %get3A_28, [1, 0] : vector<1x128xf32> -> vector<128x1xf32>
    %slice3A = vector.extract_strided_slice %mul3A_25 {offsets = [0, 0], sizes = [128, 128], strides = [1, 1]} : vector<1024x128xf32> to vector<128x128xf32>
    %mul3A_29 = vector.broadcast %transpose3A : vector<128x1xf32> to vector<128x128xf32>
    %mul3A_30 = arith.mulf %slice3A, %mul3A_29 : vector<128x128xf32>
    %get3A_31 = arith.constant 1 : index
    %get3A_32 = arith.constant 0 : index
    %get3A_33 = vector.load %arg4[%get3A_31, %get3A_32] : memref<8x128xf32, #tpu.memory_space<vmem>>, vector<1x128xf32>
    %transpose3A_34 = tpu.transpose %get3A_33, [1, 0] : vector<1x128xf32> -> vector<128x1xf32>
    %slice3A_35 = vector.extract_strided_slice %mul3A_25 {offsets = [128, 0], sizes = [128, 128], strides = [1, 1]} : vector<1024x128xf32> to vector<128x128xf32>
    %mul3A_36 = vector.broadcast %transpose3A_34 : vector<128x1xf32> to vector<128x128xf32>
    %mul3A_37 = arith.mulf %slice3A_35, %mul3A_36 : vector<128x128xf32>
    %get3A_38 = arith.constant 2 : index
    %get3A_39 = arith.constant 0 : index
    %get3A_40 = vector.load %arg4[%get3A_38, %get3A_39] : memref<8x128xf32, #tpu.memory_space<vmem>>, vector<1x128xf32>
    %transpose3A_41 = tpu.transpose %get3A_40, [1, 0] : vector<1x128xf32> -> vector<128x1xf32>
    %slice3A_42 = vector.extract_strided_slice %mul3A_25 {offsets = [256, 0], sizes = [128, 128], strides = [1, 1]} : vector<1024x128xf32> to vector<128x128xf32>
    %mul3A_43 = vector.broadcast %transpose3A_41 : vector<128x1xf32> to vector<128x128xf32>
    %mul3A_44 = arith.mulf %slice3A_42, %mul3A_43 : vector<128x128xf32>
    %get3A_45 = arith.constant 3 : index
    %get3A_46 = arith.constant 0 : index
    %get3A_47 = vector.load %arg4[%get3A_45, %get3A_46] : memref<8x128xf32, #tpu.memory_space<vmem>>, vector<1x128xf32>
    %transpose3A_48 = tpu.transpose %get3A_47, [1, 0] : vector<1x128xf32> -> vector<128x1xf32>
    %slice3A_49 = vector.extract_strided_slice %mul3A_25 {offsets = [384, 0], sizes = [128, 128], strides = [1, 1]} : vector<1024x128xf32> to vector<128x128xf32>
    %mul3A_50 = vector.broadcast %transpose3A_48 : vector<128x1xf32> to vector<128x128xf32>
    %mul3A_51 = arith.mulf %slice3A_49, %mul3A_50 : vector<128x128xf32>
    %get3A_52 = arith.constant 4 : index
    %get3A_53 = arith.constant 0 : index
    %get3A_54 = vector.load %arg4[%get3A_52, %get3A_53] : memref<8x128xf32, #tpu.memory_space<vmem>>, vector<1x128xf32>
    %transpose3A_55 = tpu.transpose %get3A_54, [1, 0] : vector<1x128xf32> -> vector<128x1xf32>
    %slice3A_56 = vector.extract_strided_slice %mul3A_25 {offsets = [512, 0], sizes = [128, 128], strides = [1, 1]} : vector<1024x128xf32> to vector<128x128xf32>
    %mul3A_57 = vector.broadcast %transpose3A_55 : vector<128x1xf32> to vector<128x128xf32>
    %mul3A_58 = arith.mulf %slice3A_56, %mul3A_57 : vector<128x128xf32>
    %get3A_59 = arith.constant 5 : index
    %get3A_60 = arith.constant 0 : index
    %get3A_61 = vector.load %arg4[%get3A_59, %get3A_60] : memref<8x128xf32, #tpu.memory_space<vmem>>, vector<1x128xf32>
    %transpose3A_62 = tpu.transpose %get3A_61, [1, 0] : vector<1x128xf32> -> vector<128x1xf32>
    %slice3A_63 = vector.extract_strided_slice %mul3A_25 {offsets = [640, 0], sizes = [128, 128], strides = [1, 1]} : vector<1024x128xf32> to vector<128x128xf32>
    %mul3A_64 = vector.broadcast %transpose3A_62 : vector<128x1xf32> to vector<128x128xf32>
    %mul3A_65 = arith.mulf %slice3A_63, %mul3A_64 : vector<128x128xf32>
    %get3A_66 = arith.constant 6 : index
    %get3A_67 = arith.constant 0 : index
    %get3A_68 = vector.load %arg4[%get3A_66, %get3A_67] : memref<8x128xf32, #tpu.memory_space<vmem>>, vector<1x128xf32>
    %transpose3A_69 = tpu.transpose %get3A_68, [1, 0] : vector<1x128xf32> -> vector<128x1xf32>
    %slice3A_70 = vector.extract_strided_slice %mul3A_25 {offsets = [768, 0], sizes = [128, 128], strides = [1, 1]} : vector<1024x128xf32> to vector<128x128xf32>
    %mul3A_71 = vector.broadcast %transpose3A_69 : vector<128x1xf32> to vector<128x128xf32>
    %mul3A_72 = arith.mulf %slice3A_70, %mul3A_71 : vector<128x128xf32>
    %get3A_73 = arith.constant 7 : index
    %get3A_74 = arith.constant 0 : index
    %get3A_75 = vector.load %arg4[%get3A_73, %get3A_74] : memref<8x128xf32, #tpu.memory_space<vmem>>, vector<1x128xf32>
    %transpose3A_76 = tpu.transpose %get3A_75, [1, 0] : vector<1x128xf32> -> vector<128x1xf32>
    %slice3A_77 = vector.extract_strided_slice %mul3A_25 {offsets = [896, 0], sizes = [128, 128], strides = [1, 1]} : vector<1024x128xf32> to vector<128x128xf32>
    %mul3A_78 = vector.broadcast %transpose3A_76 : vector<128x1xf32> to vector<128x128xf32>
    %mul3A_79 = arith.mulf %slice3A_77, %mul3A_78 : vector<128x128xf32>
    %concatenate3A = tpu.concatenate %mul3A_30, %mul3A_37, %mul3A_44, %mul3A_51, %mul3A_58, %mul3A_65, %mul3A_72, %mul3A_79 in 0 : vector<128x128xf32>, vector<128x128xf32>, vector<128x128xf32>, vector<128x128xf32>, vector<128x128xf32>, vector<128x128xf32>, vector<128x128xf32>, vector<128x128xf32> -> vector<1024x128xf32>
    %get3A_80 = arith.constant 1 : index
    %get3A_81 = arith.constant 0 : index
    %get3A_82 = arith.constant 0 : index
    %get3A_83 = vector.load %arg1[%get3A_80, %get3A_81, %get3A_82] : memref<4x1024x128xf32, #tpu.memory_space<vmem>>, vector<1x1024x128xf32>
    %get3A_84 = vector.shape_cast %get3A_83 : vector<1x1024x128xf32> to vector<1024x128xf32>
    %dot_general3A_85 = arith.constant dense<0.000000e+00> : vector<1024x128xf32>
    %dot_general3A_86 = tpu.matmul %get3A_84, %get3A_1, %dot_general3A_85 {dimension_numbers = #tpu.dot_dimension_numbers<[1], [0], [0], [1], [0, 0, 1, 1], [], []>, transpose_lhs_hint = false} : vector<1024x128xf32>, vector<128x128xf32>, vector<1024x128xf32> -> vector<1024x128xf32>
    %get3A_87 = arith.constant 0 : index
    %get3A_88 = arith.constant 0 : index
    %get3A_89 = vector.load %arg3[%get3A_87, %get3A_88] : memref<1x128xf32, #tpu.memory_space<vmem>>, vector<1x128xf32>
    %add3A_90 = vector.broadcast %get3A_89 : vector<1x128xf32> to vector<1024x128xf32>
    %add3A_91 = arith.addf %dot_general3A_86, %add3A_90 : vector<1024x128xf32>
    %integer_pow3A_92 = arith.mulf %add3A_91, %add3A_91 : vector<1024x128xf32>
    %integer_pow3A_93 = arith.mulf %add3A_91, %integer_pow3A_92 : vector<1024x128xf32>
    %mul3A_94 = arith.constant 4.471500e-02 : f32
    %mul3A_95 = vector.broadcast %mul3A_94 : f32 to vector<1024x128xf32>
    %mul3A_96 = arith.mulf %mul3A_95, %integer_pow3A_93 : vector<1024x128xf32>
    %add3A_97 = arith.addf %add3A_91, %mul3A_96 : vector<1024x128xf32>
    %mul3A_98 = arith.constant 0.797884583 : f32
    %mul3A_99 = vector.broadcast %mul3A_98 : f32 to vector<1024x128xf32>
    %mul3A_100 = arith.mulf %mul3A_99, %add3A_97 : vector<1024x128xf32>
    %tanh3A_101 = math.tanh %mul3A_100 : vector<1024x128xf32>
    %add3A_102 = arith.constant 1.000000e+00 : f32
    %add3A_103 = vector.broadcast %add3A_102 : f32 to vector<1024x128xf32>
    %add3A_104 = arith.addf %add3A_103, %tanh3A_101 : vector<1024x128xf32>
    %mul3A_105 = arith.constant 5.000000e-01 : f32
    %mul3A_106 = vector.broadcast %mul3A_105 : f32 to vector<1024x128xf32>
    %mul3A_107 = arith.mulf %mul3A_106, %add3A_104 : vector<1024x128xf32>
    %mul3A_108 = arith.mulf %add3A_91, %mul3A_107 : vector<1024x128xf32>
    %get3A_109 = arith.constant 0 : index
    %get3A_110 = arith.constant 0 : index
    %get3A_111 = vector.load %arg5[%get3A_109, %get3A_110] : memref<8x128xf32, #tpu.memory_space<vmem>>, vector<1x128xf32>
    %transpose3A_112 = tpu.transpose %get3A_111, [1, 0] : vector<1x128xf32> -> vector<128x1xf32>
    %slice3A_113 = vector.extract_strided_slice %mul3A_108 {offsets = [0, 0], sizes = [128, 128], strides = [1, 1]} : vector<1024x128xf32> to vector<128x128xf32>
    %mul3A_114 = vector.broadcast %transpose3A_112 : vector<128x1xf32> to vector<128x128xf32>
    %mul3A_115 = arith.mulf %slice3A_113, %mul3A_114 : vector<128x128xf32>
    %get3A_116 = arith.constant 1 : index
    %get3A_117 = arith.constant 0 : index
    %get3A_118 = vector.load %arg5[%get3A_116, %get3A_117] : memref<8x128xf32, #tpu.memory_space<vmem>>, vector<1x128xf32>
    %transpose3A_119 = tpu.transpose %get3A_118, [1, 0] : vector<1x128xf32> -> vector<128x1xf32>
    %slice3A_120 = vector.extract_strided_slice %mul3A_108 {offsets = [128, 0], sizes = [128, 128], strides = [1, 1]} : vector<1024x128xf32> to vector<128x128xf32>
    %mul3A_121 = vector.broadcast %transpose3A_119 : vector<128x1xf32> to vector<128x128xf32>
    %mul3A_122 = arith.mulf %slice3A_120, %mul3A_121 : vector<128x128xf32>
    %get3A_123 = arith.constant 2 : index
    %get3A_124 = arith.constant 0 : index
    %get3A_125 = vector.load %arg5[%get3A_123, %get3A_124] : memref<8x128xf32, #tpu.memory_space<vmem>>, vector<1x128xf32>
    %transpose3A_126 = tpu.transpose %get3A_125, [1, 0] : vector<1x128xf32> -> vector<128x1xf32>
    %slice3A_127 = vector.extract_strided_slice %mul3A_108 {offsets = [256, 0], sizes = [128, 128], strides = [1, 1]} : vector<1024x128xf32> to vector<128x128xf32>
    %mul3A_128 = vector.broadcast %transpose3A_126 : vector<128x1xf32> to vector<128x128xf32>
    %mul3A_129 = arith.mulf %slice3A_127, %mul3A_128 : vector<128x128xf32>
    %get3A_130 = arith.constant 3 : index
    %get3A_131 = arith.constant 0 : index
    %get3A_132 = vector.load %arg5[%get3A_130, %get3A_131] : memref<8x128xf32, #tpu.memory_space<vmem>>, vector<1x128xf32>
    %transpose3A_133 = tpu.transpose %get3A_132, [1, 0] : vector<1x128xf32> -> vector<128x1xf32>
    %slice3A_134 = vector.extract_strided_slice %mul3A_108 {offsets = [384, 0], sizes = [128, 128], strides = [1, 1]} : vector<1024x128xf32> to vector<128x128xf32>
    %mul3A_135 = vector.broadcast %transpose3A_133 : vector<128x1xf32> to vector<128x128xf32>
    %mul3A_136 = arith.mulf %slice3A_134, %mul3A_135 : vector<128x128xf32>
    %get3A_137 = arith.constant 4 : index
    %get3A_138 = arith.constant 0 : index
    %get3A_139 = vector.load %arg5[%get3A_137, %get3A_138] : memref<8x128xf32, #tpu.memory_space<vmem>>, vector<1x128xf32>
    %transpose3A_140 = tpu.transpose %get3A_139, [1, 0] : vector<1x128xf32> -> vector<128x1xf32>
    %slice3A_141 = vector.extract_strided_slice %mul3A_108 {offsets = [512, 0], sizes = [128, 128], strides = [1, 1]} : vector<1024x128xf32> to vector<128x128xf32>
    %mul3A_142 = vector.broadcast %transpose3A_140 : vector<128x1xf32> to vector<128x128xf32>
    %mul3A_143 = arith.mulf %slice3A_141, %mul3A_142 : vector<128x128xf32>
    %get3A_144 = arith.constant 5 : index
    %get3A_145 = arith.constant 0 : index
    %get3A_146 = vector.load %arg5[%get3A_144, %get3A_145] : memref<8x128xf32, #tpu.memory_space<vmem>>, vector<1x128xf32>
    %transpose3A_147 = tpu.transpose %get3A_146, [1, 0] : vector<1x128xf32> -> vector<128x1xf32>
    %slice3A_148 = vector.extract_strided_slice %mul3A_108 {offsets = [640, 0], sizes = [128, 128], strides = [1, 1]} : vector<1024x128xf32> to vector<128x128xf32>
    %mul3A_149 = vector.broadcast %transpose3A_147 : vector<128x1xf32> to vector<128x128xf32>
    %mul3A_150 = arith.mulf %slice3A_148, %mul3A_149 : vector<128x128xf32>
    %get3A_151 = arith.constant 6 : index
    %get3A_152 = arith.constant 0 : index
    %get3A_153 = vector.load %arg5[%get3A_151, %get3A_152] : memref<8x128xf32, #tpu.memory_space<vmem>>, vector<1x128xf32>
    %transpose3A_154 = tpu.transpose %get3A_153, [1, 0] : vector<1x128xf32> -> vector<128x1xf32>
    %slice3A_155 = vector.extract_strided_slice %mul3A_108 {offsets = [768, 0], sizes = [128, 128], strides = [1, 1]} : vector<1024x128xf32> to vector<128x128xf32>
    %mul3A_156 = vector.broadcast %transpose3A_154 : vector<128x1xf32> to vector<128x128xf32>
    %mul3A_157 = arith.mulf %slice3A_155, %mul3A_156 : vector<128x128xf32>
    %get3A_158 = arith.constant 7 : index
    %get3A_159 = arith.constant 0 : index
    %get3A_160 = vector.load %arg5[%get3A_158, %get3A_159] : memref<8x128xf32, #tpu.memory_space<vmem>>, vector<1x128xf32>
    %transpose3A_161 = tpu.transpose %get3A_160, [1, 0] : vector<1x128xf32> -> vector<128x1xf32>
    %slice3A_162 = vector.extract_strided_slice %mul3A_108 {offsets = [896, 0], sizes = [128, 128], strides = [1, 1]} : vector<1024x128xf32> to vector<128x128xf32>
    %mul3A_163 = vector.broadcast %transpose3A_161 : vector<128x1xf32> to vector<128x128xf32>
    %mul3A_164 = arith.mulf %slice3A_162, %mul3A_163 : vector<128x128xf32>
    %concatenate3A_165 = tpu.concatenate %mul3A_115, %mul3A_122, %mul3A_129, %mul3A_136, %mul3A_143, %mul3A_150, %mul3A_157, %mul3A_164 in 0 : vector<128x128xf32>, vector<128x128xf32>, vector<128x128xf32>, vector<128x128xf32>, vector<128x128xf32>, vector<128x128xf32>, vector<128x128xf32>, vector<128x128xf32> -> vector<1024x128xf32>
    %add3A_166 = arith.addf %concatenate3A, %concatenate3A_165 : vector<1024x128xf32>
    %get3A_167 = arith.constant 2 : index
    %get3A_168 = arith.constant 0 : index
    %get3A_169 = arith.constant 0 : index
    %get3A_170 = vector.load %arg1[%get3A_167, %get3A_168, %get3A_169] : memref<4x1024x128xf32, #tpu.memory_space<vmem>>, vector<1x1024x128xf32>
    %get3A_171 = vector.shape_cast %get3A_170 : vector<1x1024x128xf32> to vector<1024x128xf32>
    %dot_general3A_172 = arith.constant dense<0.000000e+00> : vector<1024x128xf32>
    %dot_general3A_173 = tpu.matmul %get3A_171, %get3A_1, %dot_general3A_172 {dimension_numbers = #tpu.dot_dimension_numbers<[1], [0], [0], [1], [0, 0, 1, 1], [], []>, transpose_lhs_hint = false} : vector<1024x128xf32>, vector<128x128xf32>, vector<1024x128xf32> -> vector<1024x128xf32>
    %get3A_174 = arith.constant 0 : index
    %get3A_175 = arith.constant 0 : index
    %get3A_176 = vector.load %arg3[%get3A_174, %get3A_175] : memref<1x128xf32, #tpu.memory_space<vmem>>, vector<1x128xf32>
    %add3A_177 = vector.broadcast %get3A_176 : vector<1x128xf32> to vector<1024x128xf32>
    %add3A_178 = arith.addf %dot_general3A_173, %add3A_177 : vector<1024x128xf32>
    %integer_pow3A_179 = arith.mulf %add3A_178, %add3A_178 : vector<1024x128xf32>
    %integer_pow3A_180 = arith.mulf %add3A_178, %integer_pow3A_179 : vector<1024x128xf32>
    %mul3A_181 = arith.constant 4.471500e-02 : f32
    %mul3A_182 = vector.broadcast %mul3A_181 : f32 to vector<1024x128xf32>
    %mul3A_183 = arith.mulf %mul3A_182, %integer_pow3A_180 : vector<1024x128xf32>
    %add3A_184 = arith.addf %add3A_178, %mul3A_183 : vector<1024x128xf32>
    %mul3A_185 = arith.constant 0.797884583 : f32
    %mul3A_186 = vector.broadcast %mul3A_185 : f32 to vector<1024x128xf32>
    %mul3A_187 = arith.mulf %mul3A_186, %add3A_184 : vector<1024x128xf32>
    %tanh3A_188 = math.tanh %mul3A_187 : vector<1024x128xf32>
    %add3A_189 = arith.constant 1.000000e+00 : f32
    %add3A_190 = vector.broadcast %add3A_189 : f32 to vector<1024x128xf32>
    %add3A_191 = arith.addf %add3A_190, %tanh3A_188 : vector<1024x128xf32>
    %mul3A_192 = arith.constant 5.000000e-01 : f32
    %mul3A_193 = vector.broadcast %mul3A_192 : f32 to vector<1024x128xf32>
    %mul3A_194 = arith.mulf %mul3A_193, %add3A_191 : vector<1024x128xf32>
    %mul3A_195 = arith.mulf %add3A_178, %mul3A_194 : vector<1024x128xf32>
    %get3A_196 = arith.constant 0 : index
    %get3A_197 = arith.constant 0 : index
    %get3A_198 = vector.load %arg6[%get3A_196, %get3A_197] : memref<8x128xf32, #tpu.memory_space<vmem>>, vector<1x128xf32>
    %transpose3A_199 = tpu.transpose %get3A_198, [1, 0] : vector<1x128xf32> -> vector<128x1xf32>
    %slice3A_200 = vector.extract_strided_slice %mul3A_195 {offsets = [0, 0], sizes = [128, 128], strides = [1, 1]} : vector<1024x128xf32> to vector<128x128xf32>
    %mul3A_201 = vector.broadcast %transpose3A_199 : vector<128x1xf32> to vector<128x128xf32>
    %mul3A_202 = arith.mulf %slice3A_200, %mul3A_201 : vector<128x128xf32>
    %get3A_203 = arith.constant 1 : index
    %get3A_204 = arith.constant 0 : index
    %get3A_205 = vector.load %arg6[%get3A_203, %get3A_204] : memref<8x128xf32, #tpu.memory_space<vmem>>, vector<1x128xf32>
    %transpose3A_206 = tpu.transpose %get3A_205, [1, 0] : vector<1x128xf32> -> vector<128x1xf32>
    %slice3A_207 = vector.extract_strided_slice %mul3A_195 {offsets = [128, 0], sizes = [128, 128], strides = [1, 1]} : vector<1024x128xf32> to vector<128x128xf32>
    %mul3A_208 = vector.broadcast %transpose3A_206 : vector<128x1xf32> to vector<128x128xf32>
    %mul3A_209 = arith.mulf %slice3A_207, %mul3A_208 : vector<128x128xf32>
    %get3A_210 = arith.constant 2 : index
    %get3A_211 = arith.constant 0 : index
    %get3A_212 = vector.load %arg6[%get3A_210, %get3A_211] : memref<8x128xf32, #tpu.memory_space<vmem>>, vector<1x128xf32>
    %transpose3A_213 = tpu.transpose %get3A_212, [1, 0] : vector<1x128xf32> -> vector<128x1xf32>
    %slice3A_214 = vector.extract_strided_slice %mul3A_195 {offsets = [256, 0], sizes = [128, 128], strides = [1, 1]} : vector<1024x128xf32> to vector<128x128xf32>
    %mul3A_215 = vector.broadcast %transpose3A_213 : vector<128x1xf32> to vector<128x128xf32>
    %mul3A_216 = arith.mulf %slice3A_214, %mul3A_215 : vector<128x128xf32>
    %get3A_217 = arith.constant 3 : index
    %get3A_218 = arith.constant 0 : index
    %get3A_219 = vector.load %arg6[%get3A_217, %get3A_218] : memref<8x128xf32, #tpu.memory_space<vmem>>, vector<1x128xf32>
    %transpose3A_220 = tpu.transpose %get3A_219, [1, 0] : vector<1x128xf32> -> vector<128x1xf32>
    %slice3A_221 = vector.extract_strided_slice %mul3A_195 {offsets = [384, 0], sizes = [128, 128], strides = [1, 1]} : vector<1024x128xf32> to vector<128x128xf32>
    %mul3A_222 = vector.broadcast %transpose3A_220 : vector<128x1xf32> to vector<128x128xf32>
    %mul3A_223 = arith.mulf %slice3A_221, %mul3A_222 : vector<128x128xf32>
    %get3A_224 = arith.constant 4 : index
    %get3A_225 = arith.constant 0 : index
    %get3A_226 = vector.load %arg6[%get3A_224, %get3A_225] : memref<8x128xf32, #tpu.memory_space<vmem>>, vector<1x128xf32>
    %transpose3A_227 = tpu.transpose %get3A_226, [1, 0] : vector<1x128xf32> -> vector<128x1xf32>
    %slice3A_228 = vector.extract_strided_slice %mul3A_195 {offsets = [512, 0], sizes = [128, 128], strides = [1, 1]} : vector<1024x128xf32> to vector<128x128xf32>
    %mul3A_229 = vector.broadcast %transpose3A_227 : vector<128x1xf32> to vector<128x128xf32>
    %mul3A_230 = arith.mulf %slice3A_228, %mul3A_229 : vector<128x128xf32>
    %get3A_231 = arith.constant 5 : index
    %get3A_232 = arith.constant 0 : index
    %get3A_233 = vector.load %arg6[%get3A_231, %get3A_232] : memref<8x128xf32, #tpu.memory_space<vmem>>, vector<1x128xf32>
    %transpose3A_234 = tpu.transpose %get3A_233, [1, 0] : vector<1x128xf32> -> vector<128x1xf32>
    %slice3A_235 = vector.extract_strided_slice %mul3A_195 {offsets = [640, 0], sizes = [128, 128], strides = [1, 1]} : vector<1024x128xf32> to vector<128x128xf32>
    %mul3A_236 = vector.broadcast %transpose3A_234 : vector<128x1xf32> to vector<128x128xf32>
    %mul3A_237 = arith.mulf %slice3A_235, %mul3A_236 : vector<128x128xf32>
    %get3A_238 = arith.constant 6 : index
    %get3A_239 = arith.constant 0 : index
    %get3A_240 = vector.load %arg6[%get3A_238, %get3A_239] : memref<8x128xf32, #tpu.memory_space<vmem>>, vector<1x128xf32>
    %transpose3A_241 = tpu.transpose %get3A_240, [1, 0] : vector<1x128xf32> -> vector<128x1xf32>
    %slice3A_242 = vector.extract_strided_slice %mul3A_195 {offsets = [768, 0], sizes = [128, 128], strides = [1, 1]} : vector<1024x128xf32> to vector<128x128xf32>
    %mul3A_243 = vector.broadcast %transpose3A_241 : vector<128x1xf32> to vector<128x128xf32>
    %mul3A_244 = arith.mulf %slice3A_242, %mul3A_243 : vector<128x128xf32>
    %get3A_245 = arith.constant 7 : index
    %get3A_246 = arith.constant 0 : index
    %get3A_247 = vector.load %arg6[%get3A_245, %get3A_246] : memref<8x128xf32, #tpu.memory_space<vmem>>, vector<1x128xf32>
    %transpose3A_248 = tpu.transpose %get3A_247, [1, 0] : vector<1x128xf32> -> vector<128x1xf32>
    %slice3A_249 = vector.extract_strided_slice %mul3A_195 {offsets = [896, 0], sizes = [128, 128], strides = [1, 1]} : vector<1024x128xf32> to vector<128x128xf32>
    %mul3A_250 = vector.broadcast %transpose3A_248 : vector<128x1xf32> to vector<128x128xf32>
    %mul3A_251 = arith.mulf %slice3A_249, %mul3A_250 : vector<128x128xf32>
    %concatenate3A_252 = tpu.concatenate %mul3A_202, %mul3A_209, %mul3A_216, %mul3A_223, %mul3A_230, %mul3A_237, %mul3A_244, %mul3A_251 in 0 : vector<128x128xf32>, vector<128x128xf32>, vector<128x128xf32>, vector<128x128xf32>, vector<128x128xf32>, vector<128x128xf32>, vector<128x128xf32>, vector<128x128xf32> -> vector<1024x128xf32>
    %add3A_253 = arith.addf %add3A_166, %concatenate3A_252 : vector<1024x128xf32>
    %get3A_254 = arith.constant 3 : index
    %get3A_255 = arith.constant 0 : index
    %get3A_256 = arith.constant 0 : index
    %get3A_257 = vector.load %arg1[%get3A_254, %get3A_255, %get3A_256] : memref<4x1024x128xf32, #tpu.memory_space<vmem>>, vector<1x1024x128xf32>
    %get3A_258 = vector.shape_cast %get3A_257 : vector<1x1024x128xf32> to vector<1024x128xf32>
    %dot_general3A_259 = arith.constant dense<0.000000e+00> : vector<1024x128xf32>
    %dot_general3A_260 = tpu.matmul %get3A_258, %get3A_1, %dot_general3A_259 {dimension_numbers = #tpu.dot_dimension_numbers<[1], [0], [0], [1], [0, 0, 1, 1], [], []>, transpose_lhs_hint = false} : vector<1024x128xf32>, vector<128x128xf32>, vector<1024x128xf32> -> vector<1024x128xf32>
    %get3A_261 = arith.constant 0 : index
    %get3A_262 = arith.constant 0 : index
    %get3A_263 = vector.load %arg3[%get3A_261, %get3A_262] : memref<1x128xf32, #tpu.memory_space<vmem>>, vector<1x128xf32>
    %add3A_264 = vector.broadcast %get3A_263 : vector<1x128xf32> to vector<1024x128xf32>
    %add3A_265 = arith.addf %dot_general3A_260, %add3A_264 : vector<1024x128xf32>
    %integer_pow3A_266 = arith.mulf %add3A_265, %add3A_265 : vector<1024x128xf32>
    %integer_pow3A_267 = arith.mulf %add3A_265, %integer_pow3A_266 : vector<1024x128xf32>
    %mul3A_268 = arith.constant 4.471500e-02 : f32
    %mul3A_269 = vector.broadcast %mul3A_268 : f32 to vector<1024x128xf32>
    %mul3A_270 = arith.mulf %mul3A_269, %integer_pow3A_267 : vector<1024x128xf32>
    %add3A_271 = arith.addf %add3A_265, %mul3A_270 : vector<1024x128xf32>
    %mul3A_272 = arith.constant 0.797884583 : f32
    %mul3A_273 = vector.broadcast %mul3A_272 : f32 to vector<1024x128xf32>
    %mul3A_274 = arith.mulf %mul3A_273, %add3A_271 : vector<1024x128xf32>
    %tanh3A_275 = math.tanh %mul3A_274 : vector<1024x128xf32>
    %add3A_276 = arith.constant 1.000000e+00 : f32
    %add3A_277 = vector.broadcast %add3A_276 : f32 to vector<1024x128xf32>
    %add3A_278 = arith.addf %add3A_277, %tanh3A_275 : vector<1024x128xf32>
    %mul3A_279 = arith.constant 5.000000e-01 : f32
    %mul3A_280 = vector.broadcast %mul3A_279 : f32 to vector<1024x128xf32>
    %mul3A_281 = arith.mulf %mul3A_280, %add3A_278 : vector<1024x128xf32>
    %mul3A_282 = arith.mulf %add3A_265, %mul3A_281 : vector<1024x128xf32>
    %get3A_283 = arith.constant 0 : index
    %get3A_284 = arith.constant 0 : index
    %get3A_285 = vector.load %arg7[%get3A_283, %get3A_284] : memref<8x128xf32, #tpu.memory_space<vmem>>, vector<1x128xf32>
    %transpose3A_286 = tpu.transpose %get3A_285, [1, 0] : vector<1x128xf32> -> vector<128x1xf32>
    %slice3A_287 = vector.extract_strided_slice %mul3A_282 {offsets = [0, 0], sizes = [128, 128], strides = [1, 1]} : vector<1024x128xf32> to vector<128x128xf32>
    %mul3A_288 = vector.broadcast %transpose3A_286 : vector<128x1xf32> to vector<128x128xf32>
    %mul3A_289 = arith.mulf %slice3A_287, %mul3A_288 : vector<128x128xf32>
    %get3A_290 = arith.constant 1 : index
    %get3A_291 = arith.constant 0 : index
    %get3A_292 = vector.load %arg7[%get3A_290, %get3A_291] : memref<8x128xf32, #tpu.memory_space<vmem>>, vector<1x128xf32>
    %transpose3A_293 = tpu.transpose %get3A_292, [1, 0] : vector<1x128xf32> -> vector<128x1xf32>
    %slice3A_294 = vector.extract_strided_slice %mul3A_282 {offsets = [128, 0], sizes = [128, 128], strides = [1, 1]} : vector<1024x128xf32> to vector<128x128xf32>
    %mul3A_295 = vector.broadcast %transpose3A_293 : vector<128x1xf32> to vector<128x128xf32>
    %mul3A_296 = arith.mulf %slice3A_294, %mul3A_295 : vector<128x128xf32>
    %get3A_297 = arith.constant 2 : index
    %get3A_298 = arith.constant 0 : index
    %get3A_299 = vector.load %arg7[%get3A_297, %get3A_298] : memref<8x128xf32, #tpu.memory_space<vmem>>, vector<1x128xf32>
    %transpose3A_300 = tpu.transpose %get3A_299, [1, 0] : vector<1x128xf32> -> vector<128x1xf32>
    %slice3A_301 = vector.extract_strided_slice %mul3A_282 {offsets = [256, 0], sizes = [128, 128], strides = [1, 1]} : vector<1024x128xf32> to vector<128x128xf32>
    %mul3A_302 = vector.broadcast %transpose3A_300 : vector<128x1xf32> to vector<128x128xf32>
    %mul3A_303 = arith.mulf %slice3A_301, %mul3A_302 : vector<128x128xf32>
    %get3A_304 = arith.constant 3 : index
    %get3A_305 = arith.constant 0 : index
    %get3A_306 = vector.load %arg7[%get3A_304, %get3A_305] : memref<8x128xf32, #tpu.memory_space<vmem>>, vector<1x128xf32>
    %transpose3A_307 = tpu.transpose %get3A_306, [1, 0] : vector<1x128xf32> -> vector<128x1xf32>
    %slice3A_308 = vector.extract_strided_slice %mul3A_282 {offsets = [384, 0], sizes = [128, 128], strides = [1, 1]} : vector<1024x128xf32> to vector<128x128xf32>
    %mul3A_309 = vector.broadcast %transpose3A_307 : vector<128x1xf32> to vector<128x128xf32>
    %mul3A_310 = arith.mulf %slice3A_308, %mul3A_309 : vector<128x128xf32>
    %get3A_311 = arith.constant 4 : index
    %get3A_312 = arith.constant 0 : index
    %get3A_313 = vector.load %arg7[%get3A_311, %get3A_312] : memref<8x128xf32, #tpu.memory_space<vmem>>, vector<1x128xf32>
    %transpose3A_314 = tpu.transpose %get3A_313, [1, 0] : vector<1x128xf32> -> vector<128x1xf32>
    %slice3A_315 = vector.extract_strided_slice %mul3A_282 {offsets = [512, 0], sizes = [128, 128], strides = [1, 1]} : vector<1024x128xf32> to vector<128x128xf32>
    %mul3A_316 = vector.broadcast %transpose3A_314 : vector<128x1xf32> to vector<128x128xf32>
    %mul3A_317 = arith.mulf %slice3A_315, %mul3A_316 : vector<128x128xf32>
    %get3A_318 = arith.constant 5 : index
    %get3A_319 = arith.constant 0 : index
    %get3A_320 = vector.load %arg7[%get3A_318, %get3A_319] : memref<8x128xf32, #tpu.memory_space<vmem>>, vector<1x128xf32>
    %transpose3A_321 = tpu.transpose %get3A_320, [1, 0] : vector<1x128xf32> -> vector<128x1xf32>
    %slice3A_322 = vector.extract_strided_slice %mul3A_282 {offsets = [640, 0], sizes = [128, 128], strides = [1, 1]} : vector<1024x128xf32> to vector<128x128xf32>
    %mul3A_323 = vector.broadcast %transpose3A_321 : vector<128x1xf32> to vector<128x128xf32>
    %mul3A_324 = arith.mulf %slice3A_322, %mul3A_323 : vector<128x128xf32>
    %get3A_325 = arith.constant 6 : index
    %get3A_326 = arith.constant 0 : index
    %get3A_327 = vector.load %arg7[%get3A_325, %get3A_326] : memref<8x128xf32, #tpu.memory_space<vmem>>, vector<1x128xf32>
    %transpose3A_328 = tpu.transpose %get3A_327, [1, 0] : vector<1x128xf32> -> vector<128x1xf32>
    %slice3A_329 = vector.extract_strided_slice %mul3A_282 {offsets = [768, 0], sizes = [128, 128], strides = [1, 1]} : vector<1024x128xf32> to vector<128x128xf32>
    %mul3A_330 = vector.broadcast %transpose3A_328 : vector<128x1xf32> to vector<128x128xf32>
    %mul3A_331 = arith.mulf %slice3A_329, %mul3A_330 : vector<128x128xf32>
    %get3A_332 = arith.constant 7 : index
    %get3A_333 = arith.constant 0 : index
    %get3A_334 = vector.load %arg7[%get3A_332, %get3A_333] : memref<8x128xf32, #tpu.memory_space<vmem>>, vector<1x128xf32>
    %transpose3A_335 = tpu.transpose %get3A_334, [1, 0] : vector<1x128xf32> -> vector<128x1xf32>
    %slice3A_336 = vector.extract_strided_slice %mul3A_282 {offsets = [896, 0], sizes = [128, 128], strides = [1, 1]} : vector<1024x128xf32> to vector<128x128xf32>
    %mul3A_337 = vector.broadcast %transpose3A_335 : vector<128x1xf32> to vector<128x128xf32>
    %mul3A_338 = arith.mulf %slice3A_336, %mul3A_337 : vector<128x128xf32>
    %concatenate3A_339 = tpu.concatenate %mul3A_289, %mul3A_296, %mul3A_303, %mul3A_310, %mul3A_317, %mul3A_324, %mul3A_331, %mul3A_338 in 0 : vector<128x128xf32>, vector<128x128xf32>, vector<128x128xf32>, vector<128x128xf32>, vector<128x128xf32>, vector<128x128xf32>, vector<128x128xf32>, vector<128x128xf32> -> vector<1024x128xf32>
    %add3A_340 = arith.addf %add3A_253, %concatenate3A_339 : vector<1024x128xf32>
    %mul3A_341 = arith.constant 2.500000e-01 : f32
    %mul3A_342 = vector.broadcast %mul3A_341 : f32 to vector<1024x128xf32>
    %mul3A_343 = arith.mulf %add3A_340, %mul3A_342 : vector<1024x128xf32>
    %swap3A = arith.constant 0 : index
    %swap3A_344 = arith.constant 0 : index
    %swap3A_345 = vector.load %arg8[%swap3A, %swap3A_344] : memref<1024x128xf32, #tpu.memory_space<vmem>>, vector<1024x128xf32>
    tpu.vector_store %arg8[%swap3A, %swap3A_344], %mul3A_343 {strides = array<i32>} : memref<1024x128xf32, #tpu.memory_space<vmem>>, vector<1024x128xf32>,
    return
  }
  func.func @transform_0(%arg0: i32) -> (i32, i32, i32) {
    %c0_i32 = arith.constant 0 : i32
    %c0_i32_0 = arith.constant 0 : i32
    %c0_i32_1 = arith.constant 0 : i32
    return %c0_i32, %arg0, %c0_i32_0 : i32, i32, i32
  }
  func.func @transform_1(%arg0: i32) -> (i32, i32) {
    %c0_i32 = arith.constant 0 : i32
    %c0_i32_0 = arith.constant 0 : i32
    %c0_i32_1 = arith.constant 0 : i32
    return %c0_i32, %c0_i32_0 : i32, i32
  }
  func.func @transform_2(%arg0: i32) -> (i32, i32) {
    %c0_i32 = arith.constant 0 : i32
    %c0_i32_0 = arith.constant 0 : i32
    %c0_i32_1 = arith.constant 0 : i32
    return %c0_i32, %c0_i32_0 : i32, i32
  }
  func.func @transform_3(%arg0: i32) -> (i32, i32) {
    %add3A = arith.constant 0 : i32
    %add3A_0 = arith.addi %add3A, %arg0 : i32
    %c0_i32 = arith.constant 0 : i32
    %c0_i32_1 = arith.constant 0 : i32
    return %add3A_0, %c0_i32 : i32, i32
  }
  func.func @transform_4(%arg0: i32) -> (i32, i32) {
    %add3A = arith.constant 2 : i32
    %add3A_0 = arith.addi %add3A, %arg0 : i32
    %c0_i32 = arith.constant 0 : i32
    %c0_i32_1 = arith.constant 0 : i32
    return %add3A_0, %c0_i32 : i32, i32
  }
  func.func @transform_5(%arg0: i32) -> (i32, i32) {
    %add3A = arith.constant 4 : i32
    %add3A_0 = arith.addi %add3A, %arg0 : i32
    %c0_i32 = arith.constant 0 : i32
    %c0_i32_1 = arith.constant 0 : i32
    return %add3A_0, %c0_i32 : i32, i32
  }
  func.func @transform_6(%arg0: i32) -> (i32, i32) {
    %add3A = arith.constant 6 : i32
    %add3A_0 = arith.addi %add3A, %arg0 : i32
    %c0_i32 = arith.constant 0 : i32
    %c0_i32_1 = arith.constant 0 : i32
    return %add3A_0, %c0_i32 : i32, i32
  }
  func.func @transform_7(%arg0: i32) -> (i32, i32) {
    %c0_i32 = arith.constant 0 : i32
    %c0_i32_0 = arith.constant 0 : i32
    return %arg0, %c0_i32 : i32, i32
  }
}

</mosaic_0001>

<sc_bundles>
// kernel: kernel.5.cloned.1.call-start
scs
__scs_entry_jumppad:
0x0: {  	(pc) =	sbr.rel $0x88, $3  }
0x1: {  	(tag) =	ssettag $0x0;
	lr =	simm.s32 $0x1  }
0x2: {  	[smem:$0x3F9C] =	sst lr;
	_ =	strace $0xD0000000  }
0x3: {  	_ = 	snop  }
0x4: {  	_ = 	snop  }
0x5: {  	_ = 	snop  }
0x6: {  	_ = 	snop  }
0x7: {  	_ = 	snop  }
__scs_overlays_trampoline_lowered:
0x8: {  	[smem:$0x3FAB] =	sst s0  }
0x9: {  	[smem:$0x3FAC] =	sst s1  }
0xa: {  	[smem:$0x3FAD] =	sst s2  }
0xb: {  	[smem:$0x3FAE] =	sst s3  }
0xc: {  	[smem:$0x3FAF] =	sst s4  }
0xd: {  	[smem:$0x3FB0] =	sst s5  }
0xe: {  	[smem:$0x3FB1] =	sst s6  }
0xf: {  	[smem:$0x3FB2] =	sst s7  }
0x10: {  	[smem:$0x3FB3] =	sst s8  }
0x11: {  	[smem:$0x3FB4] =	sst s9;
	s0 =	simm.s32 @!p0 $0x0  }
0x12: {  	s1 =	sld [smem:$0x3F9A];
	s0 =	simm.s32 @p0 $0x1  }
0x13: {  	[smem:$0x3FB5] =	sst s0;
	s0 =	simm.s32 @!p1 $0x0  }
0x14: {  	s2 =	sld [smem:$0x3F99];
	s0 =	simm.s32 @p1 $0x1  }
0x15: {  	[smem:$0x3FB6] =	sst s0;
	s0 =	simm.s32 @!p2 $0x0  }
0x16: {  	s3 =	sld [smem:$0x3FDB];
	s0 =	simm.s32 @p2 $0x1  }
0x17: {  	s4 =	simm.s32 $0x1BF5;
	[smem:$0x3FB8] =	sst s0  }
0x18: {  	s0 =	sld [smem:$0x3F9B];
	_ =	swait.ge [sflag:s4], $0x0  }
0x19: {  	s7 =	sld [smem:$0x3F9C]  }
0x1a: {  	s8 =	sadd.s32 $0xFFFFE003, lr  }
0x1b: {  	s9 =	sadd.s32 $0xFFFFFEF7, lr;
	s5 =	simm.s32 $0xFFFFFFFF;
	p2 =	slt.u32 s8, $0xFFFFF086  }
0x1c: {  	p1 =	slt.u32 s9, $0xF7A;
	s5 =	simm.s32 @!p2 $0x0  }
0x1d: {  	s5 =	simm.s32 @p1 $0x1;
	p0 =	seq.s32 s7, s2  }
0x1e: {  	s7 =	smul.u32 @!p0 $0xF7A, s2;
	p2 =	seq.s32 @!p0 s5, $0x0  }
0x1f: {  	s9 =	smul.u32 $0xF7A, s1;
	s8 =	simm.s32 @!p0 $0x1BF5;
	p2 =	por !p2, p0  }
0x20: {  	[sflag:s8] =	ssyncset.s32 @!p0 $0xFFFFF086;
	s6 =	sadd.s32 @!p0 s3, s7;
	s7 =	simm.s32 @!p0 $0x108  }
0x21: {  	s3 =	sadd.s32 s3, s9;
	s6 =	sadd.s32 @!p0 $0x88, s6;
	s7 =	simm.s32 @p2 $0x1082  }
0x22: {  	[simem:s7], [sflag:s8] =	dma.local @!p0 [hbm:s6], $0xF7A  }
0x23: {  	s9 =	sor.u32 $0xD0000000, s2;
	s6 =	simm.s32 $0x108;
	_ =	swait.ge @!p0 [sflag:s8], $0x0  }
0x24: {  	s3 =	sadd.s32 $0x88, s3;
	s6 =	simm.s32 @!p1 $0x1082;
	[sflag:s4] =	ssyncset.s32 $0xFFFFF086  }
0x25: {  	[simem:s6], [sflag:s4] =	dma.local [hbm:s3], $0xF7A  }
0x26: {  	[smem:$0x3F9C] =	sst s1;
	(tag) =	ssettag s2;
	_ =	strace s9  }
0x27: {  	s1 =	sld [smem:$0x3FAC]  }
0x28: {  	s2 =	sld [smem:$0x3FAD]  }
0x29: {  	s4 =	sld [smem:$0x3FAF]  }
0x2a: {  	p0 =	seq.s32 s5, $0x0;
	s5 =	sld [smem:$0x3FB0]  }
0x2b: {  	s6 =	sld [smem:$0x3FB1]  }
0x2c: {  	s7 =	sld [smem:$0x3FB2]  }
0x2d: {  	s3 =	simm.s32 $0x108;
	s8 =	sld [smem:$0x3FB3]  }
0x2e: {  	s3 =	simm.s32 @!p0 $0x1082;
	s9 =	sld [smem:$0x3FB4]  }
0x2f: {  	lr =	sadd.s32 s0, s3;
	s0 =	sld [smem:$0x3FAB]  }
0x30: {  	s3 =	sld [smem:$0x3FAE]  }
0x31: {  	[smem:$0x3FB7] =	sst s10  }
0x32: {  	s10 =	sld [smem:$0x3FB5];
	_ =	sdelay $0x3  }
0x33: {  	p0 =	seq.s32 s10, $0x1;
	s10 =	sld [smem:$0x3FB7];
	_ =	sdelay $0x3  }
0x34: {  	[smem:$0x3FB7] =	sst s10  }
0x35: {  	s10 =	sld [smem:$0x3FB6];
	_ =	sdelay $0x3  }
0x36: {  	p1 =	seq.s32 s10, $0x1;
	s10 =	sld [smem:$0x3FB7];
	_ =	sdelay $0x3  }
0x37: {  	[smem:$0x3FB7] =	sst s10  }
0x38: {  	s10 =	sld [smem:$0x3FB8]  }
0x39: {  	_ = 	snop;
	(pc) =	sbr.ind lr, $3  }
0x3a: {  	_ = 	snop  }
0x3b: {  	_ = 	snop  }
0x3c: {  	p2 =	seq.s32 s10, $0x1;
	s10 =	sld [smem:$0x3FB7]  }
0x3d: {  	_ =	shalt  }
0x3e: {  	_ =	shalt  }
0x3f: {  	_ =	shalt  }
0x40: {  	_ =	shalt  }
0x41: {  	_ =	shalt  }
0x42: {  	_ =	shalt  }
0x43: {  	_ =	shalt  }
0x44: {  	_ =	shalt  }
0x45: {  	_ =	shalt  }
0x46: {  	_ =	shalt  }
0x47: {  	_ =	shalt  }
0x48: {  	_ =	shalt  }
0x49: {  	_ =	shalt  }
0x4a: {  	_ =	shalt  }
0x4b: {  	_ =	shalt  }
0x4c: {  	_ =	shalt  }
0x4d: {  	_ =	shalt  }
0x4e: {  	_ =	shalt  }
0x4f: {  	_ =	shalt  }
0x50: {  	_ =	shalt  }
0x51: {  	_ =	shalt  }
0x52: {  	_ =	shalt  }
0x53: {  	_ =	shalt  }
0x54: {  	_ =	shalt  }
0x55: {  	_ =	shalt  }
0x56: {  	_ =	shalt  }
0x57: {  	_ =	shalt  }
0x58: {  	_ =	shalt  }
0x59: {  	_ =	shalt  }
0x5a: {  	_ =	shalt  }
0x5b: {  	_ =	shalt  }
0x5c: {  	_ =	shalt  }
0x5d: {  	_ =	shalt  }
0x5e: {  	_ =	shalt  }
0x5f: {  	_ =	shalt  }
0x60: {  	_ =	shalt  }
0x61: {  	_ =	shalt  }
0x62: {  	_ =	shalt  }
0x63: {  	_ =	shalt  }
0x64: {  	_ =	shalt  }
0x65: {  	_ =	shalt  }
0x66: {  	_ =	shalt  }
0x67: {  	_ =	shalt  }
0x68: {  	_ =	shalt  }
0x69: {  	_ =	shalt  }
0x6a: {  	_ =	shalt  }
0x6b: {  	_ =	shalt  }
0x6c: {  	_ =	shalt  }
0x6d: {  	_ =	shalt  }
0x6e: {  	_ =	shalt  }
0x6f: {  	_ =	shalt  }
0x70: {  	_ =	shalt  }
0x71: {  	_ =	shalt  }
0x72: {  	_ =	shalt  }
0x73: {  	_ =	shalt  }
0x74: {  	_ =	shalt  }
0x75: {  	_ =	shalt  }
0x76: {  	_ =	shalt  }
0x77: {  	_ =	shalt  }
0x78: {  	_ =	shalt  }
0x79: {  	_ =	shalt  }
0x7a: {  	_ =	shalt  }
0x7b: {  	_ =	shalt  }
0x7c: {  	_ =	shalt  }
0x7d: {  	_ =	shalt  }
0x7e: {  	_ =	shalt  }
0x7f: {  	_ =	shalt  }
0x80: {  	_ =	shalt  }
0x81: {  	_ =	shalt  }
0x82: {  	_ =	shalt  }
0x83: {  	_ =	shalt  }
0x84: {  	_ =	shalt  }
0x85: {  	_ =	shalt  }
0x86: {  	_ =	shalt  }
0x87: {  	_ =	shalt  }
.Lfunc_end0:
.L_simem_size_0:
called_computation_lowered:
.L_overlay_start_0:
0x88: {  	s2 =	sld [smem:$0x3FD9]  }
0x89: {  	s3 =	sld [smem:$0x3FFE];
	_ =	sdelay $0x1  }
0x8a: {  	s1 =	srdreg.scid  }
0x8b: {  	s0 =	sand.u32 $0x1, s1  }
0x8c: {  	s14 =	sshll.u32 s0, $0xA;
	s2 =	sadd.s32 s3, s2  }
0x8d: {  	s2 =	sadd.s32 s2, s14  }
0x8e: {  	[smem:$0x3FC3] =	sst s2  }
0x8f: {  	_ = 	snop  }
0x90: {  	s2 =	sld [smem:$0x3FD0];
	_ =	sdelay $0x1  }
0x91: {  	s15 =	sld [smem:$0x3FC9]  }
0x92: {  	s5 =	simm.s32 $0xA;
	s6 =	simm.s32 $0x10;
	s4 =	sld [smem:$0x3FC5]  }
0x93: {  	[smem:s6], [sflag:s5] =	dma.local [hbm:s2], $0x1  }
0x94: {  	_ =	swait.eq [sflag:s5], $0x1  }
0x95: {  	[sflag:s5] =	ssyncset.done $0x0  }
0x96: {  	s16 =	sld [smem:$0x10];
	[sflag:s5] =	ssyncadd.s32 $0xFFFFFFFF  }
0x97: {  	s17 =	sld [smem:$0x11];
	(tm) =	ssettm $0x1  }
0x98: {  	s18 =	sld [smem:$0x3FFB];
	_ =	sdelay $0x3  }
0x99: {  	_ =	strace s18  }
0x9a: {  	s6 =	sld [smem:$0x3FFC];
	_ =	sdelay $0x3  }
0x9b: {  	_ =	strace s6  }
0x9c: {  	s6 =	sld [smem:$0x3FFD];
	_ =	sdelay $0x3  }
0x9d: {  	_ =	strace s6  }
0x9e: {  	_ =	strace $0x8FFFFFFF  }
0x9f: {  	s19 =	sld [smem:$0x3FDB];
	_ =	sdelay $0x1  }
0xa0: {  	s7 =	simm.s32 $_scs_section_size  }
0xa1: {  	s8 =	simm.s32 $_size__tile_overlayer_lowered;
	s9 =	simm.s32 $_tile_overlayer_lowered  }
0xa2: {  	s22 =	simm.s32 $0x1BFF;
	s21 =	sshll.u32 s9, $0x1;
	s6 =	sadd.s32 s7, s19  }
0xa3: {  	s10 =	simm.s32 $0x0;
	s20 =	sshll.u32 s8, $0x1;
	s8 =	sadd.s32 s21, s6  }
0xa4: {  	[timem:s10], [sflag:s22] =	dma.local [hbm:s8], s20  }
0xa5: {  	_ =	swait.ge [sflag:s22], s20  }
0xa6: {  	s7 =	ssub.s32 $0x0, s20;
	[sflag:s22] =	ssyncset.done $0x0  }
0xa7: {  	[sflag:s22] =	ssyncadd.s32 s7;
	_ =	sdelay $0x1  }
0xa8: {  	s23 =	simm.s32 $0x1B8B  }
0xa9: {  	_ =	swait.ge [sflag:s23], $0x1  }
0xaa: {  	[sflag:s23] =	ssyncset.done $0x0  }
0xab: {  	s25 =	simm.s32 $0x1B8E;
	s24 =	sld [smem:$0x3FFE];
	[sflag:s23] =	ssyncadd.s32 $0xFFFFFFFF  }
0xac: {  	s26 =	simm.s32 $execute0_lowered;
	[smem:$0x3FD2] =	sst s25  }
0xad: {  	s8 =	sshll.u32 s26, $0x1;
	_ =	strace $0x80000046;
	[dreg:$0x1] =	wrdreg $0xFFFFFFFF  }
0xae: {  	s28 =	simm.s32 $_size_execute0_lowered;
	s6 =	sadd.s32 s6, s8;
	[dreg:$0x0] =	wrdreg $0x0  }
0xaf: {  	s8 =	sshll.u32 s28, $0x1;
	[dreg:$0x2] =	wrdreg s6  }
0xb0: {  	[dreg:$0x3] =	wrdreg s8  }
0xb1: {  	[dreg:$0x4] =	wrdreg $0xC0  }
0xb2: {  	_ =	task [dreg:s10], $0x5FFFF  }
0xb3: {  	[dreg:$0x1] =	wrdreg $0xFFFFFFFF  }
0xb4: {  	[dreg:$0x0] =	wrdreg $0x60  }
0xb5: {  	[dreg:$0x2] =	wrdreg s4  }
0xb6: {  	[dreg:$0x3] =	wrdreg s15  }
0xb7: {  	[dreg:$0x4] =	wrdreg s16  }
0xb8: {  	[dreg:$0x5] =	wrdreg s24  }
0xb9: {  	[dreg:$0x6] =	wrdreg s17  }
0xba: {  	[dreg:$0x7] =	wrdreg $0x9  }
0xbb: {  	_ =	task.clear_ibuf [dreg:s10], $0x8FFFF;
	_ =	strace $0x90000046  }
0xbc: {  	s29 =	simm.s32 $0x9;
	_ =	strace $0x80000048  }
0xbd: {  	_ =	swait.ge [sflag:s29], $0x1  }
0xbe: {  	[sflag:s29] =	ssyncadd.s32 $0xFFFFFFFF  }
0xbf: {  	_ =	strace $0x90000048  }
0xc0: {  	_ =	sfence  }
0xc1: {  	s30 =	sld [smem:$0x0];
	_ =	sdelay $0x2  }
0xc2: {  	s31 =	sshll.u32 s1, $0xD;
	s1 =	sshrl.u32 s1, $0x2  }
0xc3: {  	s3 =	sand.u32 $0x4000, s31;
	s1 =	sadd.s32 s1, s30  }
0xc4: {  	s0 =	sor.u32 s3, s0;
	s1 =	sshll.u32 s1, $0x11  }
0xc5: {  	s0 =	sor.u32 s1, s0  }
0xc6: {  	s0 =	sadd.s32 $0x8F2B, s0  }
0xc7: {  	[sflag:s0] =	ssyncadd.remote.s32 $0x1  }
0xc8: {  	_ =	sfence.sel $0xFFFF  }
0xc9: {  	[dreg:$0x0] =	wrdreg $0xFFFFFFFF;
	(pc) =	sbr.abs _section_cstart, $3  }
0xca: {  	[dreg:$0x1] =	wrdreg $0xFFFFFFFF  }
0xcb: {  	_ =	task.clear_ibuf [dreg:s10], $0x2FFFF;
	_ =	strace $0x9FFFFFFF  }
0xcc: {  	(tm) =	ssettm $0x7FFFFFFF  }
0xcd: {  	_ =	shalt  }
tec
execute0_lowered:
.L_overlay_start_1:
0x0: {  	(tag) =	ssettag $0x1  }
0x1: {  	s1 =	rddreg [dreg:$0x0]  }
0x2: {  	s9 =	rddreg [dreg:$0x1]  }
0x3: {  	s7 =	rddreg [dreg:$0x2]  }
0x4: {  	s6 =	rddreg [dreg:$0x3]  }
0x5: {  	s3 =	rddreg [dreg:$0x4]  }
0x6: {  	s0 =	rddreg [dreg:$0x5];
	s4 =	simm.s32 $0x0;
	s5 =	srdreg.scid  }
0x7: {  	s2 =	stileid.u32;
	s17 =	simm.s32 $0x10080;
	s18 =	simm.s32 $0x80  }
0x8: {  	s19 =	simm.s32 $0x4000;
	s20 =	simm.s32 $0x8000;
	s21 =	simm.s32 $0xC000  }
0x9: {  	s22 =	simm.s32 $0x11180;
	s23 =	simm.s32 $0x10100;
	s24 =	simm.s32 $0x11100  }
0xa: {  	s28 =	simm.s32 $0x2;
	s29 =	simm.s32 $0x4;
	s30 =	simm.s32 $0x5  }
0xb: {  	[smem:$0x7FF] =	sst s4;
	s8 =	sand.u32 $0x1, s5;
	s25 =	sshll.u32 s2, $0x1  }
0xc: {  	s5 =	sadd.s32 $0x1C00, s6;
	s13 =	sadd.s32 $0x1E00, s6;
	_ =	strace $0x80000047  }
0xd: {  	s10 =	sor.u32 s8, s25;
	s8 =	ssub.s32 $0x2, s8;
	s25 =	simm.s32 $0x1  }
0xe: {  	s11 =	sshll.u32 s10, $0x8;
	s26 =	sshrl.u32 s8, $0x1;
	s12 =	sshll.u32 s10, $0x5  }
0xf: {  	s31 =	sshll.u32 s10, $0xC;
	s16 =	sshll.u32 s10, $0xB;
	s11 =	sor.u32 $0x80, s11  }
0x10: {  	s14 =	ssub.s32 s8, s26;
	s6 =	sadd.s32 s7, s12;
	s8 =	sadd.s32 s9, s31  }
0x11: {  	s10 =	sadd.s32 s1, s16;
	s12 =	sadd.s32 s13, s12;
	s26 =	simm.s32 $0x3  }
0x12: {  	s15 =	sshrl.u32 s11, $0x3;
	s11 =	sshll.u32 s11, $0x4;
	s14 =	smax.u32 s14, $0x1  }
0x13: {  	s7 =	sadd.s32 s7, s15;
	s9 =	sadd.s32 s9, s11;
	s11 =	sadd.s32 s3, s16  }
0x14: {  	s13 =	sadd.s32 s13, s15;
	s15 =	simm.s32 $0x10000;
	s16 =	simm.s32 $0x6  }
.LBB2_1:
0x15: {  	[tilespmem:s15], [sflag:$0x6] =	stream.linear.gather [hbm4b:s6+s4], $0x80, $0x38;
	[tilespmem:$0x15180] =	vst v63  }
0x16: {  	_ =	swait.ge [sflag:s16], $0x80  }
0x17: {  	[sflag:s16] =	ssyncset.done $0x0  }
0x18: {  	[sflag:s16] =	ssyncadd.s32 $0xFFFFFF80  }
0x19: {  	[tilespmem:s17], [sflag:$0x6] =	stream.linear.gather [hbm4b:s7+s4], $0x80, $0x38;
	[tilespmem:$0x15180] =	vst v63  }
0x1a: {  	_ =	swait.ge [sflag:s16], $0x80  }
0x1b: {  	[sflag:s16] =	ssyncset.done $0x0  }
0x1c: {  	[sflag:s16] =	ssyncadd.s32 $0xFFFFFF80  }
0x1d: {  	[tilespmem:s4], [sflag:$0x1] =	stream.indirect.gather [hbm4b:s1+s18], $0x80, s15, s18, $0xb8;
	[tilespmem:$0x15180] =	vst v63  }
0x1e: {  	_ = 	snop  }
0x1f: {  	[tilespmem:s19], [sflag:$0x2] =	stream.indirect.gather [hbm4b:s1+s18], $0x80, s17, s18, $0xb8;
	[tilespmem:$0x15180] =	vst v63  }
0x20: {  	_ = 	snop  }
0x21: {  	[tilespmem:s20], [sflag:$0x3] =	stream.linear.gather [hbm4b:s8+s4], $0x4000, $0x38;
	[tilespmem:$0x15180] =	vst v63  }
0x22: {  	_ = 	snop  }
0x23: {  	[tilespmem:s21], [sflag:$0x4] =	stream.linear.gather [hbm4b:s9+s4], $0x4000, $0x38;
	[tilespmem:$0x15180] =	vst v63  }
0x24: {  	_ = 	snop  }
0x25: {  	[tilespmem:s22], [sflag:$0x6] =	stream.linear.gather [hbm4b:s10+s4], $0x4000, $0x38;
	[tilespmem:$0x15180] =	vst v63  }
0x26: {  	_ =	swait.ge [sflag:s16], $0x4000  }
0x27: {  	[sflag:s16] =	ssyncset.done $0x0  }
0x28: {  	[sflag:s16] =	ssyncadd.s32 $0xFFFFC000  }
0x29: {  	[hbm4b:s11+s4] =	stream.linear.scatter [tilespmem:s22], [sflag:$0x6], $0x4000, $0x38;
	[tilespmem:$0x15180] =	vst v63  }
0x2a: {  	_ =	swait.ge [sflag:s16], $0x4000  }
0x2b: {  	[sflag:s16] =	ssyncset.done $0x0  }
0x2c: {  	[sflag:s16] =	ssyncadd.s32 $0xFFFFC000  }
0x2d: {  	[tilespmem:s23], [sflag:$0x6] =	stream.linear.gather [hbm4b:s5+s4], $0x1000, $0x38;
	[tilespmem:$0x15180] =	vst v63  }
0x2e: {  	_ =	swait.ge [sflag:s16], $0x1000  }
0x2f: {  	[sflag:s16] =	ssyncset.done $0x0  }
0x30: {  	[sflag:s16] =	ssyncadd.s32 $0xFFFFF000  }
0x31: {  	[bflag:$0x0] =	sbarrier.arrive $0xFFFF  }
0x32: {  	v0 =	vld [tilespmem:$0x10000];
	_ =	sdelay $0x7  }
0x33: {  	v0 =	vld.idx.msk [tilespmem:v0+s23+$0x0], $0xffff;
	_ =	sdelay $0x4  }
0x34: {  	v0 =	vsub.f32 $0.0e+00, v0;
	_ =	sdelay $0x1  }
0x35: {  	v0 =	vmul.f32 $1.442695020e+00, v0;
	_ =	sdelay $0x1  }
0x36: {  	(erf) = vpow2.f32 v0;
	_ =	sdelay $0x8  }
0x37: {  	v0 =	vpop (erf)  }
0x38: {  	v0 =	vadd.f32 $1.000000000e+00, v0;
	_ =	sdelay $0x1  }
0x39: {  	(erf) = vrcp.f32 v0;
	_ =	sdelay $0x2  }
0x3a: {  	v36 =	vld [tilespmem:$0x10010];
	_ =	sdelay $0x5  }
0x3b: {  	v1 =	vpop (erf)  }
0x3c: {  	[tilespmem:$0x11100] =	vst v1  }
0x3d: {  	v0 =	vld.idx.msk [tilespmem:v36+s23+$0x0], $0xffff;
	_ =	sdelay $0x4  }
0x3e: {  	v0 =	vsub.f32 $0.0e+00, v0;
	_ =	sdelay $0x1  }
0x3f: {  	v0 =	vmul.f32 $1.442695020e+00, v0;
	_ =	sdelay $0x1  }
0x40: {  	(erf) = vpow2.f32 v0;
	_ =	sdelay $0x8  }
0x41: {  	v0 =	vpop (erf)  }
0x42: {  	v0 =	vadd.f32 $1.000000000e+00, v0;
	_ =	sdelay $0x1  }
0x43: {  	(erf) = vrcp.f32 v0;
	_ =	sdelay $0x2  }
0x44: {  	v37 =	vld [tilespmem:$0x10020];
	_ =	sdelay $0x5  }
0x45: {  	v38 =	vpop (erf)  }
0x46: {  	[tilespmem:$0x11110] =	vst v38  }
0x47: {  	v0 =	vld.idx.msk [tilespmem:v37+s23+$0x0], $0xffff;
	_ =	sdelay $0x4  }
0x48: {  	v0 =	vsub.f32 $0.0e+00, v0;
	_ =	sdelay $0x1  }
0x49: {  	v0 =	vmul.f32 $1.442695020e+00, v0;
	_ =	sdelay $0x1  }
0x4a: {  	(erf) = vpow2.f32 v0;
	_ =	sdelay $0x8  }
0x4b: {  	v0 =	vpop (erf)  }
0x4c: {  	v0 =	vadd.f32 $1.000000000e+00, v0;
	_ =	sdelay $0x1  }
0x4d: {  	(erf) = vrcp.f32 v0;
	_ =	sdelay $0x2  }
0x4e: {  	v39 =	vld [tilespmem:$0x10030];
	_ =	sdelay $0x5  }
0x4f: {  	v40 =	vpop (erf)  }
0x50: {  	[tilespmem:$0x11120] =	vst v40  }
0x51: {  	v0 =	vld.idx.msk [tilespmem:v39+s23+$0x0], $0xffff;
	_ =	sdelay $0x4  }
0x52: {  	v0 =	vsub.f32 $0.0e+00, v0;
	_ =	sdelay $0x1  }
0x53: {  	v0 =	vmul.f32 $1.442695020e+00, v0;
	_ =	sdelay $0x1  }
0x54: {  	(erf) = vpow2.f32 v0;
	_ =	sdelay $0x8  }
0x55: {  	v0 =	vpop (erf)  }
0x56: {  	v0 =	vadd.f32 $1.000000000e+00, v0;
	_ =	sdelay $0x1  }
0x57: {  	(erf) = vrcp.f32 v0;
	_ =	sdelay $0x2  }
0x58: {  	v41 =	vld [tilespmem:$0x10040];
	_ =	sdelay $0x5  }
0x59: {  	v42 =	vpop (erf)  }
0x5a: {  	[tilespmem:$0x11130] =	vst v42  }
0x5b: {  	v0 =	vld.idx.msk [tilespmem:v41+s23+$0x0], $0xffff;
	_ =	sdelay $0x4  }
0x5c: {  	v0 =	vsub.f32 $0.0e+00, v0;
	_ =	sdelay $0x1  }
0x5d: {  	v0 =	vmul.f32 $1.442695020e+00, v0;
	_ =	sdelay $0x1  }
0x5e: {  	(erf) = vpow2.f32 v0;
	_ =	sdelay $0x8  }
0x5f: {  	v0 =	vpop (erf)  }
0x60: {  	v0 =	vadd.f32 $1.000000000e+00, v0;
	_ =	sdelay $0x1  }
0x61: {  	(erf) = vrcp.f32 v0;
	_ =	sdelay $0x2  }
0x62: {  	v43 =	vld [tilespmem:$0x10050];
	_ =	sdelay $0x5  }
0x63: {  	v44 =	vpop (erf)  }
0x64: {  	[tilespmem:$0x11140] =	vst v44  }
0x65: {  	v0 =	vld.idx.msk [tilespmem:v43+s23+$0x0], $0xffff;
	_ =	sdelay $0x4  }
0x66: {  	v0 =	vsub.f32 $0.0e+00, v0;
	_ =	sdelay $0x1  }
0x67: {  	v0 =	vmul.f32 $1.442695020e+00, v0;
	_ =	sdelay $0x1  }
0x68: {  	(erf) = vpow2.f32 v0;
	_ =	sdelay $0x8  }
0x69: {  	v0 =	vpop (erf)  }
0x6a: {  	v0 =	vadd.f32 $1.000000000e+00, v0;
	_ =	sdelay $0x1  }
0x6b: {  	(erf) = vrcp.f32 v0;
	_ =	sdelay $0x2  }
0x6c: {  	v45 =	vld [tilespmem:$0x10060];
	_ =	sdelay $0x5  }
0x6d: {  	v46 =	vpop (erf)  }
0x6e: {  	[tilespmem:$0x11150] =	vst v46  }
0x6f: {  	v0 =	vld.idx.msk [tilespmem:v45+s23+$0x0], $0xffff;
	_ =	sdelay $0x4  }
0x70: {  	v0 =	vsub.f32 $0.0e+00, v0;
	_ =	sdelay $0x1  }
0x71: {  	v0 =	vmul.f32 $1.442695020e+00, v0;
	_ =	sdelay $0x1  }
0x72: {  	(erf) = vpow2.f32 v0;
	_ =	sdelay $0x8  }
0x73: {  	v0 =	vpop (erf)  }
0x74: {  	v0 =	vadd.f32 $1.000000000e+00, v0;
	_ =	sdelay $0x1  }
0x75: {  	(erf) = vrcp.f32 v0;
	_ =	sdelay $0x2  }
0x76: {  	v47 =	vld [tilespmem:$0x10070];
	_ =	sdelay $0x5  }
0x77: {  	v48 =	vpop (erf)  }
0x78: {  	[tilespmem:$0x11160] =	vst v48  }
0x79: {  	v0 =	vld.idx.msk [tilespmem:v47+s23+$0x0], $0xffff;
	_ =	sdelay $0x4  }
0x7a: {  	v0 =	vsub.f32 $0.0e+00, v0;
	_ =	sdelay $0x1  }
0x7b: {  	v0 =	vmul.f32 $1.442695020e+00, v0;
	_ =	sdelay $0x1  }
0x7c: {  	(erf) = vpow2.f32 v0;
	_ =	sdelay $0x8  }
0x7d: {  	v0 =	vpop (erf)  }
0x7e: {  	v0 =	vadd.f32 $1.000000000e+00, v0;
	_ =	sdelay $0x1  }
0x7f: {  	(erf) = vrcp.f32 v0;
	_ =	sdelay $0x8  }
0x80: {  	v0 =	vpop (erf)  }
0x81: {  	[tilespmem:$0x11170] =	vst v0  }
0x82: {  	[hbm4b:s12+s4] =	stream.linear.scatter [tilespmem:s24], [sflag:$0x6], $0x80, $0x38;
	[tilespmem:$0x15180] =	vst v63  }
0x83: {  	_ =	swait.ge [sflag:s16], $0x80  }
0x84: {  	[sflag:s16] =	ssyncset.done $0x0  }
0x85: {  	[sflag:s16] =	ssyncadd.s32 $0xFFFFFF80  }
0x86: {  	v49 =	vld [tilespmem:$0x10080];
	_ =	sdelay $0x7  }
0x87: {  	v0 =	vld.idx.msk [tilespmem:v49+s23+$0x0], $0xffff;
	_ =	sdelay $0x4  }
0x88: {  	v0 =	vsub.f32 $0.0e+00, v0;
	_ =	sdelay $0x1  }
0x89: {  	v0 =	vmul.f32 $1.442695020e+00, v0;
	_ =	sdelay $0x1  }
0x8a: {  	(erf) = vpow2.f32 v0;
	_ =	sdelay $0x8  }
0x8b: {  	v0 =	vpop (erf)  }
0x8c: {  	v0 =	vadd.f32 $1.000000000e+00, v0;
	_ =	sdelay $0x1  }
0x8d: {  	(erf) = vrcp.f32 v0;
	_ =	sdelay $0x2  }
0x8e: {  	v50 =	vld [tilespmem:$0x10090];
	_ =	sdelay $0x5  }
0x8f: {  	v51 =	vpop (erf)  }
0x90: {  	[tilespmem:$0x11100] =	vst v51  }
0x91: {  	v0 =	vld.idx.msk [tilespmem:v50+s23+$0x0], $0xffff;
	_ =	sdelay $0x4  }
0x92: {  	v0 =	vsub.f32 $0.0e+00, v0;
	_ =	sdelay $0x1  }
0x93: {  	v0 =	vmul.f32 $1.442695020e+00, v0;
	_ =	sdelay $0x1  }
0x94: {  	(erf) = vpow2.f32 v0;
	_ =	sdelay $0x8  }
0x95: {  	v0 =	vpop (erf)  }
0x96: {  	v0 =	vadd.f32 $1.000000000e+00, v0;
	_ =	sdelay $0x1  }
0x97: {  	(erf) = vrcp.f32 v0;
	_ =	sdelay $0x2  }
0x98: {  	v52 =	vld [tilespmem:$0x100A0];
	_ =	sdelay $0x5  }
0x99: {  	v53 =	vpop (erf)  }
0x9a: {  	[tilespmem:$0x11110] =	vst v53  }
0x9b: {  	v0 =	vld.idx.msk [tilespmem:v52+s23+$0x0], $0xffff;
	_ =	sdelay $0x4  }
0x9c: {  	v0 =	vsub.f32 $0.0e+00, v0;
	_ =	sdelay $0x1  }
0x9d: {  	v0 =	vmul.f32 $1.442695020e+00, v0;
	_ =	sdelay $0x1  }
0x9e: {  	(erf) = vpow2.f32 v0;
	_ =	sdelay $0x8  }
0x9f: {  	v0 =	vpop (erf)  }
0xa0: {  	v0 =	vadd.f32 $1.000000000e+00, v0;
	_ =	sdelay $0x1  }
0xa1: {  	(erf) = vrcp.f32 v0;
	_ =	sdelay $0x2  }
0xa2: {  	v54 =	vld [tilespmem:$0x100B0];
	_ =	sdelay $0x5  }
0xa3: {  	v55 =	vpop (erf)  }
0xa4: {  	[tilespmem:$0x11120] =	vst v55  }
0xa5: {  	v0 =	vld.idx.msk [tilespmem:v54+s23+$0x0], $0xffff;
	_ =	sdelay $0x4  }
0xa6: {  	v0 =	vsub.f32 $0.0e+00, v0;
	_ =	sdelay $0x1  }
0xa7: {  	v0 =	vmul.f32 $1.442695020e+00, v0;
	_ =	sdelay $0x1  }
0xa8: {  	(erf) = vpow2.f32 v0;
	_ =	sdelay $0x8  }
0xa9: {  	v0 =	vpop (erf)  }
0xaa: {  	v0 =	vadd.f32 $1.000000000e+00, v0;
	_ =	sdelay $0x1  }
0xab: {  	(erf) = vrcp.f32 v0;
	_ =	sdelay $0x2  }
0xac: {  	v56 =	vld [tilespmem:$0x100C0];
	_ =	sdelay $0x5  }
0xad: {  	v57 =	vpop (erf)  }
0xae: {  	[tilespmem:$0x11130] =	vst v57  }
0xaf: {  	v0 =	vld.idx.msk [tilespmem:v56+s23+$0x0], $0xffff;
	_ =	sdelay $0x4  }
0xb0: {  	v0 =	vsub.f32 $0.0e+00, v0;
	_ =	sdelay $0x1  }
0xb1: {  	v0 =	vmul.f32 $1.442695020e+00, v0;
	_ =	sdelay $0x1  }
0xb2: {  	(erf) = vpow2.f32 v0;
	_ =	sdelay $0x8  }
0xb3: {  	v0 =	vpop (erf)  }
0xb4: {  	v0 =	vadd.f32 $1.000000000e+00, v0;
	_ =	sdelay $0x1  }
0xb5: {  	(erf) = vrcp.f32 v0;
	_ =	sdelay $0x2  }
0xb6: {  	v58 =	vld [tilespmem:$0x100D0];
	_ =	sdelay $0x5  }
0xb7: {  	v59 =	vpop (erf)  }
0xb8: {  	[tilespmem:$0x11140] =	vst v59  }
0xb9: {  	v0 =	vld.idx.msk [tilespmem:v58+s23+$0x0], $0xffff;
	_ =	sdelay $0x4  }
0xba: {  	v0 =	vsub.f32 $0.0e+00, v0;
	_ =	sdelay $0x1  }
0xbb: {  	v0 =	vmul.f32 $1.442695020e+00, v0;
	_ =	sdelay $0x1  }
0xbc: {  	(erf) = vpow2.f32 v0;
	_ =	sdelay $0x8  }
0xbd: {  	v0 =	vpop (erf)  }
0xbe: {  	v0 =	vadd.f32 $1.000000000e+00, v0;
	_ =	sdelay $0x1  }
0xbf: {  	(erf) = vrcp.f32 v0;
	_ =	sdelay $0x2  }
0xc0: {  	v60 =	vld [tilespmem:$0x100E0];
	_ =	sdelay $0x5  }
0xc1: {  	v61 =	vpop (erf)  }
0xc2: {  	[tilespmem:$0x11150] =	vst v61  }
0xc3: {  	v0 =	vld.idx.msk [tilespmem:v60+s23+$0x0], $0xffff;
	_ =	sdelay $0x4  }
0xc4: {  	v0 =	vsub.f32 $0.0e+00, v0;
	_ =	sdelay $0x1  }
0xc5: {  	v0 =	vmul.f32 $1.442695020e+00, v0;
	_ =	sdelay $0x1  }
0xc6: {  	(erf) = vpow2.f32 v0;
	_ =	sdelay $0x8  }
0xc7: {  	v0 =	vpop (erf)  }
0xc8: {  	v0 =	vadd.f32 $1.000000000e+00, v0;
	_ =	sdelay $0x1  }
0xc9: {  	(erf) = vrcp.f32 v0;
	_ =	sdelay $0x2  }
0xca: {  	v62 =	vld [tilespmem:$0x100F0];
	_ =	sdelay $0x5  }
0xcb: {  	v63 =	vpop (erf)  }
0xcc: {  	[tilespmem:$0x11160] =	vst v63  }
0xcd: {  	v0 =	vld.idx.msk [tilespmem:v62+s23+$0x0], $0xffff;
	_ =	sdelay $0x4  }
0xce: {  	v0 =	vsub.f32 $0.0e+00, v0;
	_ =	sdelay $0x1  }
0xcf: {  	v0 =	vmul.f32 $1.442695020e+00, v0;
	_ =	sdelay $0x1  }
0xd0: {  	(erf) = vpow2.f32 v0;
	_ =	sdelay $0x8  }
0xd1: {  	v0 =	vpop (erf)  }
0xd2: {  	v0 =	vadd.f32 $1.000000000e+00, v0;
	_ =	sdelay $0x1  }
0xd3: {  	(erf) = vrcp.f32 v0;
	_ =	sdelay $0x8  }
0xd4: {  	v0 =	vpop (erf)  }
0xd5: {  	[tilespmem:$0x11170] =	vst v0  }
0xd6: {  	[hbm4b:s13+s4] =	stream.linear.scatter [tilespmem:s24], [sflag:$0x6], $0x80, $0x38;
	[tilespmem:$0x15180] =	vst v63  }
0xd7: {  	_ =	swait.ge [sflag:s16], $0x80  }
0xd8: {  	[sflag:s16] =	ssyncset.done $0x0  }
0xd9: {  	[sflag:s16] =	ssyncadd.s32 $0xFFFFFF80  }
0xda: {  	_ =	swait.ge [sflag:s25], $0x4000  }
0xdb: {  	[sflag:s25] =	ssyncset.done $0x0  }
0xdc: {  	[sflag:s25] =	ssyncadd.s32 $0xFFFFC000  }
0xdd: {  	_ =	swait.ge [sflag:s26], $0x4000  }
0xde: {  	[sflag:s26] =	ssyncset.done $0x0  }
0xdf: {  	[sflag:s26] =	ssyncadd.s32 $0xFFFFC000  }
0xe0: {  	[hbm4b:s3+s18] =	stream.indirect.scatter [tilespmem:s4], [sflag:$0x5], $0x80, s15, s18, $0xb8;
	[tilespmem:$0x15180] =	vst v63  }
0xe1: {  	_ =	swait.ge [sflag:s28], $0x4000  }
0xe2: {  	[sflag:s28] =	ssyncset.done $0x0  }
0xe3: {  	[sflag:s28] =	ssyncadd.s32 $0xFFFFC000  }
0xe4: {  	_ =	swait.ge [sflag:s29], $0x4000  }
0xe5: {  	[sflag:s29] =	ssyncset.done $0x0  }
0xe6: {  	[sflag:s29] =	ssyncadd.s32 $0xFFFFC000  }
0xe7: {  	[hbm4b:s3+s18] =	stream.indirect.scatter [tilespmem:s19], [sflag:$0x5], $0x80, s17, s18, $0xb8;
	[tilespmem:$0x15180] =	vst v63  }
0xe8: {  	p0 =	sne.s32 s14, $0x1;
	_ =	swait.ge [sflag:s30], $0x4000  }
.Ltmp0:
0xe9: {  	[sflag:s30] =	ssyncset.done $0x0;
	(pc) =	sbr.rel @p0 .LBB2_1-.Ltmp0, $4  }
0xea: {  	[sflag:s30] =	ssyncadd.s32 $0xFFFFC000  }
0xeb: {  	_ =	swait.ge [sflag:s30], $0x4000  }
0xec: {  	[sflag:s30] =	ssyncset.done $0x0  }
0xed: {  	s14 =	sadd.s32 $0xFFFFFFFF, s14;
	[sflag:s30] =	ssyncadd.s32 $0xFFFFC000  }
0xee: {  	_ =	sfence.sel $0x180000  }
0xef: {  	[bflag:$0x0] =	sbarrier.arrive $0xFFFF  }
0xf0: {  	p0 =	sne.s32 s2, $0x0;
	_ =	strace $0x90000047  }
0xf1: {  	s0 =	sadd.s32 @!p0 $0x100000, s0;
	[bflag:$0x2] =	sbarrier.arrive $0xFFFF  }
0xf2: {  	[sflag:s0] =	ssyncadd.tile.s32 @!p0 $0x1;
	_ =	shalt  }
.Lfunc_end2:
_tile_overlayer_lowered:
.L_overlay_start_2:
0xf3: {  	(tag) =	ssettag $0x2  }
0xf4: {  	s0 =	rddreg [dreg:$0x0];
	s2 =	stileid.u32  }
0xf5: {  	s1 =	rddreg [dreg:$0x1];
	p0 =	sne.s32 s2, $0x0  }
0xf6: {  	s3 =	rddreg [dreg:$0x2];
	[bflag:$0x3] =	sbarrier.arrive $0xFFFF;
	s2 =	simm.s32 @!p0 $0x1C06  }
0xf7: {  	[timem:s3], [sflag:s2] =	dma.local @!p0 [hbm:s0], s1  }
0xf8: {  	s0 =	simm.s32 @!p0 $0x6  }
0xf9: {  	_ =	swait.ge @!p0 [sflag:s0], s1  }
0xfa: {  	s1 =	ssub.s32 @!p0 $0x0, s1;
	[sflag:s0] =	ssyncset.done @!p0 $0x0  }
0xfb: {  	[sflag:s0] =	ssyncadd.s32 @!p0 s1  }
0xfc: {  	[bflag:$0x3] =	sbarrier.arrive $0xFFFF  }
0xfd: {  	_ =	shalt  }

</sc_bundles>
